<compile_context>
chip_gen: v7x
topology: tpu7x:2x2x1
jax: 0.10.2.dev20260603
libtpu: 0.0.44.dev20260713+nightly
codegen_flags: <defaults>
</compile_context>

<pallas_src>
import jax
import jax.numpy as jnp
from jax import lax
from jax.experimental import pallas as pl
from jax.experimental.pallas import tpu as pltpu
from jax.experimental.pallas import tpu_sc as plsc
from jax._src.pallas import core as pallas_core
from jax._src.pallas import mpmd

_BATCH = 4
_SEQ = 8192
_DIM = 1024

_SCS_ROWS = 2560
_SCS_PER_CORE = _SCS_ROWS // 2
_SCS_CHUNKS = (512, 512, 256)

_TEC_ROWS = _SEQ - _SCS_ROWS
_TEC_PER_WORKER = _TEC_ROWS // 32
_TEC_CHUNKS = (64, 64, 48)


def _broadcast_table(pos_embedding):
    vmesh = plsc.VectorSubcoreMesh(core_axis_name="c", subcore_axis_name="s")
    smesh = plsc.ScalarSubcoreMesh(axis_name="c", num_cores=2)

    def scs_fn(table_hbm, out_hbm, sbuf, tbuf):
        del tbuf
        base = lax.axis_index("c") * _SCS_PER_CORE
        off = 0
        for n in _SCS_CHUNKS:
            row0 = base + off
            pltpu.sync_copy(table_hbm.at[pl.ds(row0, n)], sbuf.at[pl.ds(0, n)])
            for b in range(_BATCH):
                pltpu.sync_copy(
                    sbuf.at[pl.ds(0, n)], out_hbm.at[b, pl.ds(row0, n)])
            off += n

    def tec_fn(table_hbm, out_hbm, sbuf, tbuf):
        del sbuf
        wid = lax.axis_index("s") * 2 + lax.axis_index("c")
        base = _SCS_ROWS + wid * _TEC_PER_WORKER
        off = 0
        for n in _TEC_CHUNKS:
            row0 = base + off
            pltpu.sync_copy(table_hbm.at[pl.ds(row0, n)], tbuf.at[pl.ds(0, n)])
            for b in range(_BATCH):
                pltpu.sync_copy(
                    tbuf.at[pl.ds(0, n)], out_hbm.at[b, pl.ds(row0, n)])
            off += n

    f = mpmd.mpmd_map(
        [(smesh, scs_fn), (vmesh, tec_fn)],
        out_types=jax.ShapeDtypeStruct((_BATCH, _SEQ, _DIM), jnp.float32),
        scratch_types=[
            pltpu.VMEM_SHARED((512, _DIM), jnp.float32),
            pallas_core.CoreMemorySpace(pltpu.VMEM, vmesh)(
                (64, _DIM), jnp.float32),
        ],
    )
    return f(pos_embedding)


def kernel(input_ids, pos_embedding):
    del input_ids
    return _broadcast_table(pos_embedding)

# --- scband reference (transcript-rebuilt; emitter-appended) ---
"""Pipeline reference for scband-positional-embedding-34402688041458 (READ-ONLY COPY).

The authoritative reference and input builder live on the scoring server;
editing this copy changes nothing except your own understanding.
"""

import jax, jax.numpy as jnp
import numpy as np

MAX_SEQ_LEN = 8192
EMBED_DIM = 1024


def setup_inputs(seed: int = 0) -> dict:
    key = jax.random.key(seed)
    k1, k2 = jax.random.split(key)
    input_ids = jax.random.randint(k1, (4, 8192), 0, 32000, dtype=jnp.int64 if jax.config.jax_enable_x64 else jnp.int32)
    pos_embedding = jax.random.normal(k2, (MAX_SEQ_LEN, EMBED_DIM), dtype=jnp.float32)
    return {"input_ids": input_ids, "pos_embedding": pos_embedding}


def reference(input_ids, pos_embedding):
    batch_size, seq_len = input_ids.shape
    positions = jnp.arange(seq_len)[None, :]  # (1, seq_len)
    positions = jnp.broadcast_to(positions, (batch_size, seq_len))  # (B, S)
    pos_emb = jnp.take(pos_embedding, positions, axis=0)  # (B, S, D) gather
    return pos_emb

if __name__ == "__main__":
    import jax
    _d = setup_inputs()
    print(jax.jit(kernel)(*tuple(_d.values())))

</pallas_src>

<mosaic_0001>
#map = affine_map<(d0) -> (0, 0)>
#map1 = affine_map<(d0) -> (0, 0, 0)>
#map2 = affine_map<(d0, d1) -> (0, 0)>
#map3 = affine_map<(d0, d1) -> (0, 0, 0)>
module attributes {stable_mosaic.version = 14 : i64} {
  func.func @scs_fn(%arg0: i32, %arg1: memref<8192x1024xf32, #tpu.memory_space<hbm>>, %arg2: memref<4x8192x1024xf32, #tpu.memory_space<hbm>>, %arg3: memref<512x1024xf32, #tpu.memory_space<vmem_shared>>, %arg4: memref<64x1024xf32, #tpu.memory_space<vmem, sc_vector_subcore>>) attributes {dimension_semantics = [#tpu.dimension_semantics<core_parallel>], iteration_bounds = array<i64: 2>, scalar_prefetch = 0 : i64, scratch_operands = 2 : i64, tpu.core_type = #tpu.core_type<sc_scalar_subcore>, window_params = [{transform_indices = #map}, {transform_indices = #map1}]} {
    %mul3A = arith.constant 1280 : i32
    %mul3A_0 = arith.muli %arg0, %mul3A : i32
    %add3A = arith.constant 0 : i32
    %add3A_1 = arith.addi %mul3A_0, %add3A : i32
    "tpu.region"() ({
      %run_scoped3A_17 = tpu.sem_alloc : memref<!tpu.dma_semaphore, #tpu.memory_space<semaphore_mem>>
      %dma_start3A = arith.constant 0 : i32
      %dma_start3A_18 = arith.constant 0 : i32
      %dma_start3A_19 = tpu.memref_slice %arg3[%dma_start3A, %dma_start3A_18] : memref<512x1024xf32, #tpu.memory_space<vmem_shared>> -> memref<512x1024xf32, #tpu.memory_space<vmem_shared>>
      %dma_start3A_20 = arith.constant 0 : i32
      %dma_start3A_21 = tpu.memref_slice %arg1[%add3A_1, %dma_start3A_20] : memref<8192x1024xf32, #tpu.memory_space<hbm>> -> memref<512x1024xf32, #tpu.memory_space<hbm>>
      tpu.enqueue_dma source(%dma_start3A_21 : memref<512x1024xf32, #tpu.memory_space<hbm>>) target(%dma_start3A_19 : memref<512x1024xf32, #tpu.memory_space<vmem_shared>>) target_semaphore(%run_scoped3A_17 : memref<!tpu.dma_semaphore, #tpu.memory_space<semaphore_mem>>)
      %dma_wait3A = arith.constant 0 : i32
      %dma_wait3A_22 = arith.constant 0 : i32
      %dma_wait3A_23 = tpu.memref_slice %arg3[%dma_wait3A, %dma_wait3A_22] : memref<512x1024xf32, #tpu.memory_space<vmem_shared>> -> memref<512x1024xf32, #tpu.memory_space<vmem_shared>>
      %dma_wait3A_24 = arith.constant 0 : i32
      %dma_wait3A_25 = tpu.memref_slice %arg1[%add3A_1, %dma_wait3A_24] : memref<8192x1024xf32, #tpu.memory_space<hbm>> -> memref<512x1024xf32, #tpu.memory_space<hbm>>
      tpu.wait_dma2 semaphore(%run_scoped3A_17 : memref<!tpu.dma_semaphore, #tpu.memory_space<semaphore_mem>>) src(%dma_wait3A_25 : memref<512x1024xf32, #tpu.memory_space<hbm>>) dst(%dma_wait3A_23 : memref<512x1024xf32, #tpu.memory_space<vmem_shared>>)
      tpu.yield
    }) : () -> ()
    %run_scoped3A = arith.constant 0 : i32
    "tpu.region"() ({
      %run_scoped3A_17 = tpu.sem_alloc : memref<!tpu.dma_semaphore, #tpu.memory_space<semaphore_mem>>
      %dma_start3A = arith.constant 0 : i32
      %dma_start3A_18 = tpu.memref_slice %arg2[%run_scoped3A, %add3A_1, %dma_start3A] : memref<4x8192x1024xf32, #tpu.memory_space<hbm>> -> memref<1x512x1024xf32, #tpu.memory_space<hbm>>
      %dma_start3A_19 = tpu.memref_squeeze %dma_start3A_18 : memref<1x512x1024xf32, #tpu.memory_space<hbm>> -> memref<512x1024xf32, #tpu.memory_space<hbm>>
      %dma_start3A_20 = arith.constant 0 : i32
      %dma_start3A_21 = arith.constant 0 : i32
      %dma_start3A_22 = tpu.memref_slice %arg3[%dma_start3A_20, %dma_start3A_21] : memref<512x1024xf32, #tpu.memory_space<vmem_shared>> -> memref<512x1024xf32, #tpu.memory_space<vmem_shared>>
      tpu.enqueue_dma source(%dma_start3A_22 : memref<512x1024xf32, #tpu.memory_space<vmem_shared>>) target(%dma_start3A_19 : memref<512x1024xf32, #tpu.memory_space<hbm>>) target_semaphore(%run_scoped3A_17 : memref<!tpu.dma_semaphore, #tpu.memory_space<semaphore_mem>>)
      %dma_wait3A = arith.constant 0 : i32
      %dma_wait3A_23 = tpu.memref_slice %arg2[%run_scoped3A, %add3A_1, %dma_wait3A] : memref<4x8192x1024xf32, #tpu.memory_space<hbm>> -> memref<1x512x1024xf32, #tpu.memory_space<hbm>>
      %dma_wait3A_24 = tpu.memref_squeeze %dma_wait3A_23 : memref<1x512x1024xf32, #tpu.memory_space<hbm>> -> memref<512x1024xf32, #tpu.memory_space<hbm>>
      %dma_wait3A_25 = arith.constant 0 : i32
      %dma_wait3A_26 = arith.constant 0 : i32
      %dma_wait3A_27 = tpu.memref_slice %arg3[%dma_wait3A_25, %dma_wait3A_26] : memref<512x1024xf32, #tpu.memory_space<vmem_shared>> -> memref<512x1024xf32, #tpu.memory_space<vmem_shared>>
      tpu.wait_dma2 semaphore(%run_scoped3A_17 : memref<!tpu.dma_semaphore, #tpu.memory_space<semaphore_mem>>) src(%dma_wait3A_27 : memref<512x1024xf32, #tpu.memory_space<vmem_shared>>) dst(%dma_wait3A_24 : memref<512x1024xf32, #tpu.memory_space<hbm>>)
      tpu.yield
    }) : () -> ()
    %run_scoped3A_2 = arith.constant 1 : i32
    "tpu.region"() ({
      %run_scoped3A_17 = tpu.sem_alloc : memref<!tpu.dma_semaphore, #tpu.memory_space<semaphore_mem>>
      %dma_start3A = arith.constant 0 : i32
      %dma_start3A_18 = tpu.memref_slice %arg2[%run_scoped3A_2, %add3A_1, %dma_start3A] : memref<4x8192x1024xf32, #tpu.memory_space<hbm>> -> memref<1x512x1024xf32, #tpu.memory_space<hbm>>
      %dma_start3A_19 = tpu.memref_squeeze %dma_start3A_18 : memref<1x512x1024xf32, #tpu.memory_space<hbm>> -> memref<512x1024xf32, #tpu.memory_space<hbm>>
      %dma_start3A_20 = arith.constant 0 : i32
      %dma_start3A_21 = arith.constant 0 : i32
      %dma_start3A_22 = tpu.memref_slice %arg3[%dma_start3A_20, %dma_start3A_21] : memref<512x1024xf32, #tpu.memory_space<vmem_shared>> -> memref<512x1024xf32, #tpu.memory_space<vmem_shared>>
      tpu.enqueue_dma source(%dma_start3A_22 : memref<512x1024xf32, #tpu.memory_space<vmem_shared>>) target(%dma_start3A_19 : memref<512x1024xf32, #tpu.memory_space<hbm>>) target_semaphore(%run_scoped3A_17 : memref<!tpu.dma_semaphore, #tpu.memory_space<semaphore_mem>>)
      %dma_wait3A = arith.constant 0 : i32
      %dma_wait3A_23 = tpu.memref_slice %arg2[%run_scoped3A_2, %add3A_1, %dma_wait3A] : memref<4x8192x1024xf32, #tpu.memory_space<hbm>> -> memref<1x512x1024xf32, #tpu.memory_space<hbm>>
      %dma_wait3A_24 = tpu.memref_squeeze %dma_wait3A_23 : memref<1x512x1024xf32, #tpu.memory_space<hbm>> -> memref<512x1024xf32, #tpu.memory_space<hbm>>
      %dma_wait3A_25 = arith.constant 0 : i32
      %dma_wait3A_26 = arith.constant 0 : i32
      %dma_wait3A_27 = tpu.memref_slice %arg3[%dma_wait3A_25, %dma_wait3A_26] : memref<512x1024xf32, #tpu.memory_space<vmem_shared>> -> memref<512x1024xf32, #tpu.memory_space<vmem_shared>>
      tpu.wait_dma2 semaphore(%run_scoped3A_17 : memref<!tpu.dma_semaphore, #tpu.memory_space<semaphore_mem>>) src(%dma_wait3A_27 : memref<512x1024xf32, #tpu.memory_space<vmem_shared>>) dst(%dma_wait3A_24 : memref<512x1024xf32, #tpu.memory_space<hbm>>)
      tpu.yield
    }) : () -> ()
    %run_scoped3A_3 = arith.constant 2 : i32
    "tpu.region"() ({
      %run_scoped3A_17 = tpu.sem_alloc : memref<!tpu.dma_semaphore, #tpu.memory_space<semaphore_mem>>
      %dma_start3A = arith.constant 0 : i32
      %dma_start3A_18 = tpu.memref_slice %arg2[%run_scoped3A_3, %add3A_1, %dma_start3A] : memref<4x8192x1024xf32, #tpu.memory_space<hbm>> -> memref<1x512x1024xf32, #tpu.memory_space<hbm>>
      %dma_start3A_19 = tpu.memref_squeeze %dma_start3A_18 : memref<1x512x1024xf32, #tpu.memory_space<hbm>> -> memref<512x1024xf32, #tpu.memory_space<hbm>>
      %dma_start3A_20 = arith.constant 0 : i32
      %dma_start3A_21 = arith.constant 0 : i32
      %dma_start3A_22 = tpu.memref_slice %arg3[%dma_start3A_20, %dma_start3A_21] : memref<512x1024xf32, #tpu.memory_space<vmem_shared>> -> memref<512x1024xf32, #tpu.memory_space<vmem_shared>>
      tpu.enqueue_dma source(%dma_start3A_22 : memref<512x1024xf32, #tpu.memory_space<vmem_shared>>) target(%dma_start3A_19 : memref<512x1024xf32, #tpu.memory_space<hbm>>) target_semaphore(%run_scoped3A_17 : memref<!tpu.dma_semaphore, #tpu.memory_space<semaphore_mem>>)
      %dma_wait3A = arith.constant 0 : i32
      %dma_wait3A_23 = tpu.memref_slice %arg2[%run_scoped3A_3, %add3A_1, %dma_wait3A] : memref<4x8192x1024xf32, #tpu.memory_space<hbm>> -> memref<1x512x1024xf32, #tpu.memory_space<hbm>>
      %dma_wait3A_24 = tpu.memref_squeeze %dma_wait3A_23 : memref<1x512x1024xf32, #tpu.memory_space<hbm>> -> memref<512x1024xf32, #tpu.memory_space<hbm>>
      %dma_wait3A_25 = arith.constant 0 : i32
      %dma_wait3A_26 = arith.constant 0 : i32
      %dma_wait3A_27 = tpu.memref_slice %arg3[%dma_wait3A_25, %dma_wait3A_26] : memref<512x1024xf32, #tpu.memory_space<vmem_shared>> -> memref<512x1024xf32, #tpu.memory_space<vmem_shared>>
      tpu.wait_dma2 semaphore(%run_scoped3A_17 : memref<!tpu.dma_semaphore, #tpu.memory_space<semaphore_mem>>) src(%dma_wait3A_27 : memref<512x1024xf32, #tpu.memory_space<vmem_shared>>) dst(%dma_wait3A_24 : memref<512x1024xf32, #tpu.memory_space<hbm>>)
      tpu.yield
    }) : () -> ()
    %run_scoped3A_4 = arith.constant 3 : i32
    "tpu.region"() ({
      %run_scoped3A_17 = tpu.sem_alloc : memref<!tpu.dma_semaphore, #tpu.memory_space<semaphore_mem>>
      %dma_start3A = arith.constant 0 : i32
      %dma_start3A_18 = tpu.memref_slice %arg2[%run_scoped3A_4, %add3A_1, %dma_start3A] : memref<4x8192x1024xf32, #tpu.memory_space<hbm>> -> memref<1x512x1024xf32, #tpu.memory_space<hbm>>
      %dma_start3A_19 = tpu.memref_squeeze %dma_start3A_18 : memref<1x512x1024xf32, #tpu.memory_space<hbm>> -> memref<512x1024xf32, #tpu.memory_space<hbm>>
      %dma_start3A_20 = arith.constant 0 : i32
      %dma_start3A_21 = arith.constant 0 : i32
      %dma_start3A_22 = tpu.memref_slice %arg3[%dma_start3A_20, %dma_start3A_21] : memref<512x1024xf32, #tpu.memory_space<vmem_shared>> -> memref<512x1024xf32, #tpu.memory_space<vmem_shared>>
      tpu.enqueue_dma source(%dma_start3A_22 : memref<512x1024xf32, #tpu.memory_space<vmem_shared>>) target(%dma_start3A_19 : memref<512x1024xf32, #tpu.memory_space<hbm>>) target_semaphore(%run_scoped3A_17 : memref<!tpu.dma_semaphore, #tpu.memory_space<semaphore_mem>>)
      %dma_wait3A = arith.constant 0 : i32
      %dma_wait3A_23 = tpu.memref_slice %arg2[%run_scoped3A_4, %add3A_1, %dma_wait3A] : memref<4x8192x1024xf32, #tpu.memory_space<hbm>> -> memref<1x512x1024xf32, #tpu.memory_space<hbm>>
      %dma_wait3A_24 = tpu.memref_squeeze %dma_wait3A_23 : memref<1x512x1024xf32, #tpu.memory_space<hbm>> -> memref<512x1024xf32, #tpu.memory_space<hbm>>
      %dma_wait3A_25 = arith.constant 0 : i32
      %dma_wait3A_26 = arith.constant 0 : i32
      %dma_wait3A_27 = tpu.memref_slice %arg3[%dma_wait3A_25, %dma_wait3A_26] : memref<512x1024xf32, #tpu.memory_space<vmem_shared>> -> memref<512x1024xf32, #tpu.memory_space<vmem_shared>>
      tpu.wait_dma2 semaphore(%run_scoped3A_17 : memref<!tpu.dma_semaphore, #tpu.memory_space<semaphore_mem>>) src(%dma_wait3A_27 : memref<512x1024xf32, #tpu.memory_space<vmem_shared>>) dst(%dma_wait3A_24 : memref<512x1024xf32, #tpu.memory_space<hbm>>)
      tpu.yield
    }) : () -> ()
    %add3A_5 = arith.constant 512 : i32
    %add3A_6 = arith.addi %mul3A_0, %add3A_5 : i32
    "tpu.region"() ({
      %run_scoped3A_17 = tpu.sem_alloc : memref<!tpu.dma_semaphore, #tpu.memory_space<semaphore_mem>>
      %dma_start3A = arith.constant 0 : i32
      %dma_start3A_18 = arith.constant 0 : i32
      %dma_start3A_19 = tpu.memref_slice %arg3[%dma_start3A, %dma_start3A_18] : memref<512x1024xf32, #tpu.memory_space<vmem_shared>> -> memref<512x1024xf32, #tpu.memory_space<vmem_shared>>
      %dma_start3A_20 = arith.constant 0 : i32
      %dma_start3A_21 = tpu.memref_slice %arg1[%add3A_6, %dma_start3A_20] : memref<8192x1024xf32, #tpu.memory_space<hbm>> -> memref<512x1024xf32, #tpu.memory_space<hbm>>
      tpu.enqueue_dma source(%dma_start3A_21 : memref<512x1024xf32, #tpu.memory_space<hbm>>) target(%dma_start3A_19 : memref<512x1024xf32, #tpu.memory_space<vmem_shared>>) target_semaphore(%run_scoped3A_17 : memref<!tpu.dma_semaphore, #tpu.memory_space<semaphore_mem>>)
      %dma_wait3A = arith.constant 0 : i32
      %dma_wait3A_22 = arith.constant 0 : i32
      %dma_wait3A_23 = tpu.memref_slice %arg3[%dma_wait3A, %dma_wait3A_22] : memref<512x1024xf32, #tpu.memory_space<vmem_shared>> -> memref<512x1024xf32, #tpu.memory_space<vmem_shared>>
      %dma_wait3A_24 = arith.constant 0 : i32
      %dma_wait3A_25 = tpu.memref_slice %arg1[%add3A_6, %dma_wait3A_24] : memref<8192x1024xf32, #tpu.memory_space<hbm>> -> memref<512x1024xf32, #tpu.memory_space<hbm>>
      tpu.wait_dma2 semaphore(%run_scoped3A_17 : memref<!tpu.dma_semaphore, #tpu.memory_space<semaphore_mem>>) src(%dma_wait3A_25 : memref<512x1024xf32, #tpu.memory_space<hbm>>) dst(%dma_wait3A_23 : memref<512x1024xf32, #tpu.memory_space<vmem_shared>>)
      tpu.yield
    }) : () -> ()
    %run_scoped3A_7 = arith.constant 0 : i32
    "tpu.region"() ({
      %run_scoped3A_17 = tpu.sem_alloc : memref<!tpu.dma_semaphore, #tpu.memory_space<semaphore_mem>>
      %dma_start3A = arith.constant 0 : i32
      %dma_start3A_18 = tpu.memref_slice %arg2[%run_scoped3A_7, %add3A_6, %dma_start3A] : memref<4x8192x1024xf32, #tpu.memory_space<hbm>> -> memref<1x512x1024xf32, #tpu.memory_space<hbm>>
      %dma_start3A_19 = tpu.memref_squeeze %dma_start3A_18 : memref<1x512x1024xf32, #tpu.memory_space<hbm>> -> memref<512x1024xf32, #tpu.memory_space<hbm>>
      %dma_start3A_20 = arith.constant 0 : i32
      %dma_start3A_21 = arith.constant 0 : i32
      %dma_start3A_22 = tpu.memref_slice %arg3[%dma_start3A_20, %dma_start3A_21] : memref<512x1024xf32, #tpu.memory_space<vmem_shared>> -> memref<512x1024xf32, #tpu.memory_space<vmem_shared>>
      tpu.enqueue_dma source(%dma_start3A_22 : memref<512x1024xf32, #tpu.memory_space<vmem_shared>>) target(%dma_start3A_19 : memref<512x1024xf32, #tpu.memory_space<hbm>>) target_semaphore(%run_scoped3A_17 : memref<!tpu.dma_semaphore, #tpu.memory_space<semaphore_mem>>)
      %dma_wait3A = arith.constant 0 : i32
      %dma_wait3A_23 = tpu.memref_slice %arg2[%run_scoped3A_7, %add3A_6, %dma_wait3A] : memref<4x8192x1024xf32, #tpu.memory_space<hbm>> -> memref<1x512x1024xf32, #tpu.memory_space<hbm>>
      %dma_wait3A_24 = tpu.memref_squeeze %dma_wait3A_23 : memref<1x512x1024xf32, #tpu.memory_space<hbm>> -> memref<512x1024xf32, #tpu.memory_space<hbm>>
      %dma_wait3A_25 = arith.constant 0 : i32
      %dma_wait3A_26 = arith.constant 0 : i32
      %dma_wait3A_27 = tpu.memref_slice %arg3[%dma_wait3A_25, %dma_wait3A_26] : memref<512x1024xf32, #tpu.memory_space<vmem_shared>> -> memref<512x1024xf32, #tpu.memory_space<vmem_shared>>
      tpu.wait_dma2 semaphore(%run_scoped3A_17 : memref<!tpu.dma_semaphore, #tpu.memory_space<semaphore_mem>>) src(%dma_wait3A_27 : memref<512x1024xf32, #tpu.memory_space<vmem_shared>>) dst(%dma_wait3A_24 : memref<512x1024xf32, #tpu.memory_space<hbm>>)
      tpu.yield
    }) : () -> ()
    %run_scoped3A_8 = arith.constant 1 : i32
    "tpu.region"() ({
      %run_scoped3A_17 = tpu.sem_alloc : memref<!tpu.dma_semaphore, #tpu.memory_space<semaphore_mem>>
      %dma_start3A = arith.constant 0 : i32
      %dma_start3A_18 = tpu.memref_slice %arg2[%run_scoped3A_8, %add3A_6, %dma_start3A] : memref<4x8192x1024xf32, #tpu.memory_space<hbm>> -> memref<1x512x1024xf32, #tpu.memory_space<hbm>>
      %dma_start3A_19 = tpu.memref_squeeze %dma_start3A_18 : memref<1x512x1024xf32, #tpu.memory_space<hbm>> -> memref<512x1024xf32, #tpu.memory_space<hbm>>
      %dma_start3A_20 = arith.constant 0 : i32
      %dma_start3A_21 = arith.constant 0 : i32
      %dma_start3A_22 = tpu.memref_slice %arg3[%dma_start3A_20, %dma_start3A_21] : memref<512x1024xf32, #tpu.memory_space<vmem_shared>> -> memref<512x1024xf32, #tpu.memory_space<vmem_shared>>
      tpu.enqueue_dma source(%dma_start3A_22 : memref<512x1024xf32, #tpu.memory_space<vmem_shared>>) target(%dma_start3A_19 : memref<512x1024xf32, #tpu.memory_space<hbm>>) target_semaphore(%run_scoped3A_17 : memref<!tpu.dma_semaphore, #tpu.memory_space<semaphore_mem>>)
      %dma_wait3A = arith.constant 0 : i32
      %dma_wait3A_23 = tpu.memref_slice %arg2[%run_scoped3A_8, %add3A_6, %dma_wait3A] : memref<4x8192x1024xf32, #tpu.memory_space<hbm>> -> memref<1x512x1024xf32, #tpu.memory_space<hbm>>
      %dma_wait3A_24 = tpu.memref_squeeze %dma_wait3A_23 : memref<1x512x1024xf32, #tpu.memory_space<hbm>> -> memref<512x1024xf32, #tpu.memory_space<hbm>>
      %dma_wait3A_25 = arith.constant 0 : i32
      %dma_wait3A_26 = arith.constant 0 : i32
      %dma_wait3A_27 = tpu.memref_slice %arg3[%dma_wait3A_25, %dma_wait3A_26] : memref<512x1024xf32, #tpu.memory_space<vmem_shared>> -> memref<512x1024xf32, #tpu.memory_space<vmem_shared>>
      tpu.wait_dma2 semaphore(%run_scoped3A_17 : memref<!tpu.dma_semaphore, #tpu.memory_space<semaphore_mem>>) src(%dma_wait3A_27 : memref<512x1024xf32, #tpu.memory_space<vmem_shared>>) dst(%dma_wait3A_24 : memref<512x1024xf32, #tpu.memory_space<hbm>>)
      tpu.yield
    }) : () -> ()
    %run_scoped3A_9 = arith.constant 2 : i32
    "tpu.region"() ({
      %run_scoped3A_17 = tpu.sem_alloc : memref<!tpu.dma_semaphore, #tpu.memory_space<semaphore_mem>>
      %dma_start3A = arith.constant 0 : i32
      %dma_start3A_18 = tpu.memref_slice %arg2[%run_scoped3A_9, %add3A_6, %dma_start3A] : memref<4x8192x1024xf32, #tpu.memory_space<hbm>> -> memref<1x512x1024xf32, #tpu.memory_space<hbm>>
      %dma_start3A_19 = tpu.memref_squeeze %dma_start3A_18 : memref<1x512x1024xf32, #tpu.memory_space<hbm>> -> memref<512x1024xf32, #tpu.memory_space<hbm>>
      %dma_start3A_20 = arith.constant 0 : i32
      %dma_start3A_21 = arith.constant 0 : i32
      %dma_start3A_22 = tpu.memref_slice %arg3[%dma_start3A_20, %dma_start3A_21] : memref<512x1024xf32, #tpu.memory_space<vmem_shared>> -> memref<512x1024xf32, #tpu.memory_space<vmem_shared>>
      tpu.enqueue_dma source(%dma_start3A_22 : memref<512x1024xf32, #tpu.memory_space<vmem_shared>>) target(%dma_start3A_19 : memref<512x1024xf32, #tpu.memory_space<hbm>>) target_semaphore(%run_scoped3A_17 : memref<!tpu.dma_semaphore, #tpu.memory_space<semaphore_mem>>)
      %dma_wait3A = arith.constant 0 : i32
      %dma_wait3A_23 = tpu.memref_slice %arg2[%run_scoped3A_9, %add3A_6, %dma_wait3A] : memref<4x8192x1024xf32, #tpu.memory_space<hbm>> -> memref<1x512x1024xf32, #tpu.memory_space<hbm>>
      %dma_wait3A_24 = tpu.memref_squeeze %dma_wait3A_23 : memref<1x512x1024xf32, #tpu.memory_space<hbm>> -> memref<512x1024xf32, #tpu.memory_space<hbm>>
      %dma_wait3A_25 = arith.constant 0 : i32
      %dma_wait3A_26 = arith.constant 0 : i32
      %dma_wait3A_27 = tpu.memref_slice %arg3[%dma_wait3A_25, %dma_wait3A_26] : memref<512x1024xf32, #tpu.memory_space<vmem_shared>> -> memref<512x1024xf32, #tpu.memory_space<vmem_shared>>
      tpu.wait_dma2 semaphore(%run_scoped3A_17 : memref<!tpu.dma_semaphore, #tpu.memory_space<semaphore_mem>>) src(%dma_wait3A_27 : memref<512x1024xf32, #tpu.memory_space<vmem_shared>>) dst(%dma_wait3A_24 : memref<512x1024xf32, #tpu.memory_space<hbm>>)
      tpu.yield
    }) : () -> ()
    %run_scoped3A_10 = arith.constant 3 : i32
    "tpu.region"() ({
      %run_scoped3A_17 = tpu.sem_alloc : memref<!tpu.dma_semaphore, #tpu.memory_space<semaphore_mem>>
      %dma_start3A = arith.constant 0 : i32
      %dma_start3A_18 = tpu.memref_slice %arg2[%run_scoped3A_10, %add3A_6, %dma_start3A] : memref<4x8192x1024xf32, #tpu.memory_space<hbm>> -> memref<1x512x1024xf32, #tpu.memory_space<hbm>>
      %dma_start3A_19 = tpu.memref_squeeze %dma_start3A_18 : memref<1x512x1024xf32, #tpu.memory_space<hbm>> -> memref<512x1024xf32, #tpu.memory_space<hbm>>
      %dma_start3A_20 = arith.constant 0 : i32
      %dma_start3A_21 = arith.constant 0 : i32
      %dma_start3A_22 = tpu.memref_slice %arg3[%dma_start3A_20, %dma_start3A_21] : memref<512x1024xf32, #tpu.memory_space<vmem_shared>> -> memref<512x1024xf32, #tpu.memory_space<vmem_shared>>
      tpu.enqueue_dma source(%dma_start3A_22 : memref<512x1024xf32, #tpu.memory_space<vmem_shared>>) target(%dma_start3A_19 : memref<512x1024xf32, #tpu.memory_space<hbm>>) target_semaphore(%run_scoped3A_17 : memref<!tpu.dma_semaphore, #tpu.memory_space<semaphore_mem>>)
      %dma_wait3A = arith.constant 0 : i32
      %dma_wait3A_23 = tpu.memref_slice %arg2[%run_scoped3A_10, %add3A_6, %dma_wait3A] : memref<4x8192x1024xf32, #tpu.memory_space<hbm>> -> memref<1x512x1024xf32, #tpu.memory_space<hbm>>
      %dma_wait3A_24 = tpu.memref_squeeze %dma_wait3A_23 : memref<1x512x1024xf32, #tpu.memory_space<hbm>> -> memref<512x1024xf32, #tpu.memory_space<hbm>>
      %dma_wait3A_25 = arith.constant 0 : i32
      %dma_wait3A_26 = arith.constant 0 : i32
      %dma_wait3A_27 = tpu.memref_slice %arg3[%dma_wait3A_25, %dma_wait3A_26] : memref<512x1024xf32, #tpu.memory_space<vmem_shared>> -> memref<512x1024xf32, #tpu.memory_space<vmem_shared>>
      tpu.wait_dma2 semaphore(%run_scoped3A_17 : memref<!tpu.dma_semaphore, #tpu.memory_space<semaphore_mem>>) src(%dma_wait3A_27 : memref<512x1024xf32, #tpu.memory_space<vmem_shared>>) dst(%dma_wait3A_24 : memref<512x1024xf32, #tpu.memory_space<hbm>>)
      tpu.yield
    }) : () -> ()
    %add3A_11 = arith.constant 1024 : i32
    %add3A_12 = arith.addi %mul3A_0, %add3A_11 : i32
    "tpu.region"() ({
      %run_scoped3A_17 = tpu.sem_alloc : memref<!tpu.dma_semaphore, #tpu.memory_space<semaphore_mem>>
      %dma_start3A = arith.constant 0 : i32
      %dma_start3A_18 = arith.constant 0 : i32
      %dma_start3A_19 = tpu.memref_slice %arg3[%dma_start3A, %dma_start3A_18] : memref<512x1024xf32, #tpu.memory_space<vmem_shared>> -> memref<256x1024xf32, #tpu.memory_space<vmem_shared>>
      %dma_start3A_20 = arith.constant 0 : i32
      %dma_start3A_21 = tpu.memref_slice %arg1[%add3A_12, %dma_start3A_20] : memref<8192x1024xf32, #tpu.memory_space<hbm>> -> memref<256x1024xf32, #tpu.memory_space<hbm>>
      tpu.enqueue_dma source(%dma_start3A_21 : memref<256x1024xf32, #tpu.memory_space<hbm>>) target(%dma_start3A_19 : memref<256x1024xf32, #tpu.memory_space<vmem_shared>>) target_semaphore(%run_scoped3A_17 : memref<!tpu.dma_semaphore, #tpu.memory_space<semaphore_mem>>)
      %dma_wait3A = arith.constant 0 : i32
      %dma_wait3A_22 = arith.constant 0 : i32
      %dma_wait3A_23 = tpu.memref_slice %arg3[%dma_wait3A, %dma_wait3A_22] : memref<512x1024xf32, #tpu.memory_space<vmem_shared>> -> memref<256x1024xf32, #tpu.memory_space<vmem_shared>>
      %dma_wait3A_24 = arith.constant 0 : i32
      %dma_wait3A_25 = tpu.memref_slice %arg1[%add3A_12, %dma_wait3A_24] : memref<8192x1024xf32, #tpu.memory_space<hbm>> -> memref<256x1024xf32, #tpu.memory_space<hbm>>
      tpu.wait_dma2 semaphore(%run_scoped3A_17 : memref<!tpu.dma_semaphore, #tpu.memory_space<semaphore_mem>>) src(%dma_wait3A_25 : memref<256x1024xf32, #tpu.memory_space<hbm>>) dst(%dma_wait3A_23 : memref<256x1024xf32, #tpu.memory_space<vmem_shared>>)
      tpu.yield
    }) : () -> ()
    %run_scoped3A_13 = arith.constant 0 : i32
    "tpu.region"() ({
      %run_scoped3A_17 = tpu.sem_alloc : memref<!tpu.dma_semaphore, #tpu.memory_space<semaphore_mem>>
      %dma_start3A = arith.constant 0 : i32
      %dma_start3A_18 = tpu.memref_slice %arg2[%run_scoped3A_13, %add3A_12, %dma_start3A] : memref<4x8192x1024xf32, #tpu.memory_space<hbm>> -> memref<1x256x1024xf32, #tpu.memory_space<hbm>>
      %dma_start3A_19 = tpu.memref_squeeze %dma_start3A_18 : memref<1x256x1024xf32, #tpu.memory_space<hbm>> -> memref<256x1024xf32, #tpu.memory_space<hbm>>
      %dma_start3A_20 = arith.constant 0 : i32
      %dma_start3A_21 = arith.constant 0 : i32
      %dma_start3A_22 = tpu.memref_slice %arg3[%dma_start3A_20, %dma_start3A_21] : memref<512x1024xf32, #tpu.memory_space<vmem_shared>> -> memref<256x1024xf32, #tpu.memory_space<vmem_shared>>
      tpu.enqueue_dma source(%dma_start3A_22 : memref<256x1024xf32, #tpu.memory_space<vmem_shared>>) target(%dma_start3A_19 : memref<256x1024xf32, #tpu.memory_space<hbm>>) target_semaphore(%run_scoped3A_17 : memref<!tpu.dma_semaphore, #tpu.memory_space<semaphore_mem>>)
      %dma_wait3A = arith.constant 0 : i32
      %dma_wait3A_23 = tpu.memref_slice %arg2[%run_scoped3A_13, %add3A_12, %dma_wait3A] : memref<4x8192x1024xf32, #tpu.memory_space<hbm>> -> memref<1x256x1024xf32, #tpu.memory_space<hbm>>
      %dma_wait3A_24 = tpu.memref_squeeze %dma_wait3A_23 : memref<1x256x1024xf32, #tpu.memory_space<hbm>> -> memref<256x1024xf32, #tpu.memory_space<hbm>>
      %dma_wait3A_25 = arith.constant 0 : i32
      %dma_wait3A_26 = arith.constant 0 : i32
      %dma_wait3A_27 = tpu.memref_slice %arg3[%dma_wait3A_25, %dma_wait3A_26] : memref<512x1024xf32, #tpu.memory_space<vmem_shared>> -> memref<256x1024xf32, #tpu.memory_space<vmem_shared>>
      tpu.wait_dma2 semaphore(%run_scoped3A_17 : memref<!tpu.dma_semaphore, #tpu.memory_space<semaphore_mem>>) src(%dma_wait3A_27 : memref<256x1024xf32, #tpu.memory_space<vmem_shared>>) dst(%dma_wait3A_24 : memref<256x1024xf32, #tpu.memory_space<hbm>>)
      tpu.yield
    }) : () -> ()
    %run_scoped3A_14 = arith.constant 1 : i32
    "tpu.region"() ({
      %run_scoped3A_17 = tpu.sem_alloc : memref<!tpu.dma_semaphore, #tpu.memory_space<semaphore_mem>>
      %dma_start3A = arith.constant 0 : i32
      %dma_start3A_18 = tpu.memref_slice %arg2[%run_scoped3A_14, %add3A_12, %dma_start3A] : memref<4x8192x1024xf32, #tpu.memory_space<hbm>> -> memref<1x256x1024xf32, #tpu.memory_space<hbm>>
      %dma_start3A_19 = tpu.memref_squeeze %dma_start3A_18 : memref<1x256x1024xf32, #tpu.memory_space<hbm>> -> memref<256x1024xf32, #tpu.memory_space<hbm>>
      %dma_start3A_20 = arith.constant 0 : i32
      %dma_start3A_21 = arith.constant 0 : i32
      %dma_start3A_22 = tpu.memref_slice %arg3[%dma_start3A_20, %dma_start3A_21] : memref<512x1024xf32, #tpu.memory_space<vmem_shared>> -> memref<256x1024xf32, #tpu.memory_space<vmem_shared>>
      tpu.enqueue_dma source(%dma_start3A_22 : memref<256x1024xf32, #tpu.memory_space<vmem_shared>>) target(%dma_start3A_19 : memref<256x1024xf32, #tpu.memory_space<hbm>>) target_semaphore(%run_scoped3A_17 : memref<!tpu.dma_semaphore, #tpu.memory_space<semaphore_mem>>)
      %dma_wait3A = arith.constant 0 : i32
      %dma_wait3A_23 = tpu.memref_slice %arg2[%run_scoped3A_14, %add3A_12, %dma_wait3A] : memref<4x8192x1024xf32, #tpu.memory_space<hbm>> -> memref<1x256x1024xf32, #tpu.memory_space<hbm>>
      %dma_wait3A_24 = tpu.memref_squeeze %dma_wait3A_23 : memref<1x256x1024xf32, #tpu.memory_space<hbm>> -> memref<256x1024xf32, #tpu.memory_space<hbm>>
      %dma_wait3A_25 = arith.constant 0 : i32
      %dma_wait3A_26 = arith.constant 0 : i32
      %dma_wait3A_27 = tpu.memref_slice %arg3[%dma_wait3A_25, %dma_wait3A_26] : memref<512x1024xf32, #tpu.memory_space<vmem_shared>> -> memref<256x1024xf32, #tpu.memory_space<vmem_shared>>
      tpu.wait_dma2 semaphore(%run_scoped3A_17 : memref<!tpu.dma_semaphore, #tpu.memory_space<semaphore_mem>>) src(%dma_wait3A_27 : memref<256x1024xf32, #tpu.memory_space<vmem_shared>>) dst(%dma_wait3A_24 : memref<256x1024xf32, #tpu.memory_space<hbm>>)
      tpu.yield
    }) : () -> ()
    %run_scoped3A_15 = arith.constant 2 : i32
    "tpu.region"() ({
      %run_scoped3A_17 = tpu.sem_alloc : memref<!tpu.dma_semaphore, #tpu.memory_space<semaphore_mem>>
      %dma_start3A = arith.constant 0 : i32
      %dma_start3A_18 = tpu.memref_slice %arg2[%run_scoped3A_15, %add3A_12, %dma_start3A] : memref<4x8192x1024xf32, #tpu.memory_space<hbm>> -> memref<1x256x1024xf32, #tpu.memory_space<hbm>>
      %dma_start3A_19 = tpu.memref_squeeze %dma_start3A_18 : memref<1x256x1024xf32, #tpu.memory_space<hbm>> -> memref<256x1024xf32, #tpu.memory_space<hbm>>
      %dma_start3A_20 = arith.constant 0 : i32
      %dma_start3A_21 = arith.constant 0 : i32
      %dma_start3A_22 = tpu.memref_slice %arg3[%dma_start3A_20, %dma_start3A_21] : memref<512x1024xf32, #tpu.memory_space<vmem_shared>> -> memref<256x1024xf32, #tpu.memory_space<vmem_shared>>
      tpu.enqueue_dma source(%dma_start3A_22 : memref<256x1024xf32, #tpu.memory_space<vmem_shared>>) target(%dma_start3A_19 : memref<256x1024xf32, #tpu.memory_space<hbm>>) target_semaphore(%run_scoped3A_17 : memref<!tpu.dma_semaphore, #tpu.memory_space<semaphore_mem>>)
      %dma_wait3A = arith.constant 0 : i32
      %dma_wait3A_23 = tpu.memref_slice %arg2[%run_scoped3A_15, %add3A_12, %dma_wait3A] : memref<4x8192x1024xf32, #tpu.memory_space<hbm>> -> memref<1x256x1024xf32, #tpu.memory_space<hbm>>
      %dma_wait3A_24 = tpu.memref_squeeze %dma_wait3A_23 : memref<1x256x1024xf32, #tpu.memory_space<hbm>> -> memref<256x1024xf32, #tpu.memory_space<hbm>>
      %dma_wait3A_25 = arith.constant 0 : i32
      %dma_wait3A_26 = arith.constant 0 : i32
      %dma_wait3A_27 = tpu.memref_slice %arg3[%dma_wait3A_25, %dma_wait3A_26] : memref<512x1024xf32, #tpu.memory_space<vmem_shared>> -> memref<256x1024xf32, #tpu.memory_space<vmem_shared>>
      tpu.wait_dma2 semaphore(%run_scoped3A_17 : memref<!tpu.dma_semaphore, #tpu.memory_space<semaphore_mem>>) src(%dma_wait3A_27 : memref<256x1024xf32, #tpu.memory_space<vmem_shared>>) dst(%dma_wait3A_24 : memref<256x1024xf32, #tpu.memory_space<hbm>>)
      tpu.yield
    }) : () -> ()
    %run_scoped3A_16 = arith.constant 3 : i32
    "tpu.region"() ({
      %run_scoped3A_17 = tpu.sem_alloc : memref<!tpu.dma_semaphore, #tpu.memory_space<semaphore_mem>>
      %dma_start3A = arith.constant 0 : i32
      %dma_start3A_18 = tpu.memref_slice %arg2[%run_scoped3A_16, %add3A_12, %dma_start3A] : memref<4x8192x1024xf32, #tpu.memory_space<hbm>> -> memref<1x256x1024xf32, #tpu.memory_space<hbm>>
      %dma_start3A_19 = tpu.memref_squeeze %dma_start3A_18 : memref<1x256x1024xf32, #tpu.memory_space<hbm>> -> memref<256x1024xf32, #tpu.memory_space<hbm>>
      %dma_start3A_20 = arith.constant 0 : i32
      %dma_start3A_21 = arith.constant 0 : i32
      %dma_start3A_22 = tpu.memref_slice %arg3[%dma_start3A_20, %dma_start3A_21] : memref<512x1024xf32, #tpu.memory_space<vmem_shared>> -> memref<256x1024xf32, #tpu.memory_space<vmem_shared>>
      tpu.enqueue_dma source(%dma_start3A_22 : memref<256x1024xf32, #tpu.memory_space<vmem_shared>>) target(%dma_start3A_19 : memref<256x1024xf32, #tpu.memory_space<hbm>>) target_semaphore(%run_scoped3A_17 : memref<!tpu.dma_semaphore, #tpu.memory_space<semaphore_mem>>)
      %dma_wait3A = arith.constant 0 : i32
      %dma_wait3A_23 = tpu.memref_slice %arg2[%run_scoped3A_16, %add3A_12, %dma_wait3A] : memref<4x8192x1024xf32, #tpu.memory_space<hbm>> -> memref<1x256x1024xf32, #tpu.memory_space<hbm>>
      %dma_wait3A_24 = tpu.memref_squeeze %dma_wait3A_23 : memref<1x256x1024xf32, #tpu.memory_space<hbm>> -> memref<256x1024xf32, #tpu.memory_space<hbm>>
      %dma_wait3A_25 = arith.constant 0 : i32
      %dma_wait3A_26 = arith.constant 0 : i32
      %dma_wait3A_27 = tpu.memref_slice %arg3[%dma_wait3A_25, %dma_wait3A_26] : memref<512x1024xf32, #tpu.memory_space<vmem_shared>> -> memref<256x1024xf32, #tpu.memory_space<vmem_shared>>
      tpu.wait_dma2 semaphore(%run_scoped3A_17 : memref<!tpu.dma_semaphore, #tpu.memory_space<semaphore_mem>>) src(%dma_wait3A_27 : memref<256x1024xf32, #tpu.memory_space<vmem_shared>>) dst(%dma_wait3A_24 : memref<256x1024xf32, #tpu.memory_space<hbm>>)
      tpu.yield
    }) : () -> ()
    return
  }
  func.func @tec_fn(%arg0: i32, %arg1: i32, %arg2: memref<8192x1024xf32, #tpu.memory_space<hbm>>, %arg3: memref<4x8192x1024xf32, #tpu.memory_space<hbm>>, %arg4: memref<512x1024xf32, #tpu.memory_space<vmem_shared>>, %arg5: memref<64x1024xf32, #tpu.memory_space<vmem>>) attributes {dimension_semantics = [#tpu.dimension_semantics<core_parallel>, #tpu.dimension_semantics<subcore_parallel>], iteration_bounds = array<i64: 2, 16>, scalar_prefetch = 0 : i64, scratch_operands = 2 : i64, tpu.core_type = #tpu.core_type<sc_vector_subcore>, window_params = [{transform_indices = #map2}, {transform_indices = #map3}]} {
    %mul3A = arith.constant 2 : i32
    %mul3A_0 = arith.muli %arg1, %mul3A : i32
    %add3A = arith.addi %mul3A_0, %arg0 : i32
    %mul3A_1 = arith.constant 176 : i32
    %mul3A_2 = arith.muli %add3A, %mul3A_1 : i32
    %add3A_3 = arith.constant 2560 : i32
    %add3A_4 = arith.addi %add3A_3, %mul3A_2 : i32
    %add3A_5 = arith.constant 0 : i32
    %add3A_6 = arith.addi %add3A_4, %add3A_5 : i32
    "tpu.region"() ({
      %run_scoped3A_22 = tpu.sem_alloc : memref<!tpu.dma_semaphore, #tpu.memory_space<semaphore_mem>>
      %dma_start3A = arith.constant 0 : i32
      %dma_start3A_23 = arith.constant 0 : i32
      %dma_start3A_24 = tpu.memref_slice %arg5[%dma_start3A, %dma_start3A_23] : memref<64x1024xf32, #tpu.memory_space<vmem>> -> memref<64x1024xf32, #tpu.memory_space<vmem>>
      %dma_start3A_25 = arith.constant 0 : i32
      %dma_start3A_26 = tpu.memref_slice %arg2[%add3A_6, %dma_start3A_25] : memref<8192x1024xf32, #tpu.memory_space<hbm>> -> memref<64x1024xf32, #tpu.memory_space<hbm>>
      %dma_start3A_27 = arith.constant 0 : i32
      %dma_start3A_28 = arith.constant 0 : i32
      %dma_start3A_29 = tpu.memref_slice %arg5[%dma_start3A_27, %dma_start3A_28] : memref<64x1024xf32, #tpu.memory_space<vmem>> -> memref<64x1024xf32, #tpu.memory_space<vmem>>
      %dma_start3A_30 = arith.constant 0 : i32
      %dma_start3A_31 = tpu.memref_slice %arg2[%add3A_6, %dma_start3A_30] : memref<8192x1024xf32, #tpu.memory_space<hbm>> -> memref<64x1024xf32, #tpu.memory_space<hbm>>
      tpu.enqueue_dma source(%dma_start3A_31 : memref<64x1024xf32, #tpu.memory_space<hbm>>) target(%dma_start3A_29 : memref<64x1024xf32, #tpu.memory_space<vmem>>) target_semaphore(%run_scoped3A_22 : memref<!tpu.dma_semaphore, #tpu.memory_space<semaphore_mem>>)
      %dma_wait3A = arith.constant 0 : i32
      %dma_wait3A_32 = arith.constant 0 : i32
      %dma_wait3A_33 = tpu.memref_slice %arg5[%dma_wait3A, %dma_wait3A_32] : memref<64x1024xf32, #tpu.memory_space<vmem>> -> memref<64x1024xf32, #tpu.memory_space<vmem>>
      %dma_wait3A_34 = arith.constant 0 : i32
      %dma_wait3A_35 = tpu.memref_slice %arg2[%add3A_6, %dma_wait3A_34] : memref<8192x1024xf32, #tpu.memory_space<hbm>> -> memref<64x1024xf32, #tpu.memory_space<hbm>>
      %dma_wait3A_36 = arith.constant 0 : i32
      %dma_wait3A_37 = arith.constant 0 : i32
      %dma_wait3A_38 = tpu.memref_slice %arg5[%dma_wait3A_36, %dma_wait3A_37] : memref<64x1024xf32, #tpu.memory_space<vmem>> -> memref<64x1024xf32, #tpu.memory_space<vmem>>
      %dma_wait3A_39 = arith.constant 0 : i32
      %dma_wait3A_40 = tpu.memref_slice %arg2[%add3A_6, %dma_wait3A_39] : memref<8192x1024xf32, #tpu.memory_space<hbm>> -> memref<64x1024xf32, #tpu.memory_space<hbm>>
      tpu.wait_dma2 semaphore(%run_scoped3A_22 : memref<!tpu.dma_semaphore, #tpu.memory_space<semaphore_mem>>) src(%dma_wait3A_40 : memref<64x1024xf32, #tpu.memory_space<hbm>>) dst(%dma_wait3A_38 : memref<64x1024xf32, #tpu.memory_space<vmem>>)
      tpu.yield
    }) : () -> ()
    %run_scoped3A = arith.constant 0 : i32
    "tpu.region"() ({
      %run_scoped3A_22 = tpu.sem_alloc : memref<!tpu.dma_semaphore, #tpu.memory_space<semaphore_mem>>
      %dma_start3A = arith.constant 0 : i32
      %dma_start3A_23 = arith.constant 0 : i32
      %dma_start3A_24 = tpu.memref_slice %arg5[%dma_start3A, %dma_start3A_23] : memref<64x1024xf32, #tpu.memory_space<vmem>> -> memref<64x1024xf32, #tpu.memory_space<vmem>>
      %dma_start3A_25 = arith.constant 0 : i32
      %dma_start3A_26 = tpu.memref_slice %arg3[%run_scoped3A, %add3A_6, %dma_start3A_25] : memref<4x8192x1024xf32, #tpu.memory_space<hbm>> -> memref<1x64x1024xf32, #tpu.memory_space<hbm>>
      %dma_start3A_27 = tpu.memref_squeeze %dma_start3A_26 : memref<1x64x1024xf32, #tpu.memory_space<hbm>> -> memref<64x1024xf32, #tpu.memory_space<hbm>>
      %dma_start3A_28 = arith.constant 0 : i32
      %dma_start3A_29 = tpu.memref_slice %arg3[%run_scoped3A, %add3A_6, %dma_start3A_28] : memref<4x8192x1024xf32, #tpu.memory_space<hbm>> -> memref<1x64x1024xf32, #tpu.memory_space<hbm>>
      %dma_start3A_30 = tpu.memref_squeeze %dma_start3A_29 : memref<1x64x1024xf32, #tpu.memory_space<hbm>> -> memref<64x1024xf32, #tpu.memory_space<hbm>>
      %dma_start3A_31 = arith.constant 0 : i32
      %dma_start3A_32 = arith.constant 0 : i32
      %dma_start3A_33 = tpu.memref_slice %arg5[%dma_start3A_31, %dma_start3A_32] : memref<64x1024xf32, #tpu.memory_space<vmem>> -> memref<64x1024xf32, #tpu.memory_space<vmem>>
      tpu.enqueue_dma source(%dma_start3A_33 : memref<64x1024xf32, #tpu.memory_space<vmem>>) target(%dma_start3A_30 : memref<64x1024xf32, #tpu.memory_space<hbm>>) target_semaphore(%run_scoped3A_22 : memref<!tpu.dma_semaphore, #tpu.memory_space<semaphore_mem>>)
      %dma_wait3A = arith.constant 0 : i32
      %dma_wait3A_34 = arith.constant 0 : i32
      %dma_wait3A_35 = tpu.memref_slice %arg5[%dma_wait3A, %dma_wait3A_34] : memref<64x1024xf32, #tpu.memory_space<vmem>> -> memref<64x1024xf32, #tpu.memory_space<vmem>>
      %dma_wait3A_36 = arith.constant 0 : i32
      %dma_wait3A_37 = tpu.memref_slice %arg3[%run_scoped3A, %add3A_6, %dma_wait3A_36] : memref<4x8192x1024xf32, #tpu.memory_space<hbm>> -> memref<1x64x1024xf32, #tpu.memory_space<hbm>>
      %dma_wait3A_38 = tpu.memref_squeeze %dma_wait3A_37 : memref<1x64x1024xf32, #tpu.memory_space<hbm>> -> memref<64x1024xf32, #tpu.memory_space<hbm>>
      %dma_wait3A_39 = arith.constant 0 : i32
      %dma_wait3A_40 = tpu.memref_slice %arg3[%run_scoped3A, %add3A_6, %dma_wait3A_39] : memref<4x8192x1024xf32, #tpu.memory_space<hbm>> -> memref<1x64x1024xf32, #tpu.memory_space<hbm>>
      %dma_wait3A_41 = tpu.memref_squeeze %dma_wait3A_40 : memref<1x64x1024xf32, #tpu.memory_space<hbm>> -> memref<64x1024xf32, #tpu.memory_space<hbm>>
      %dma_wait3A_42 = arith.constant 0 : i32
      %dma_wait3A_43 = arith.constant 0 : i32
      %dma_wait3A_44 = tpu.memref_slice %arg5[%dma_wait3A_42, %dma_wait3A_43] : memref<64x1024xf32, #tpu.memory_space<vmem>> -> memref<64x1024xf32, #tpu.memory_space<vmem>>
      tpu.wait_dma2 semaphore(%run_scoped3A_22 : memref<!tpu.dma_semaphore, #tpu.memory_space<semaphore_mem>>) src(%dma_wait3A_44 : memref<64x1024xf32, #tpu.memory_space<vmem>>) dst(%dma_wait3A_41 : memref<64x1024xf32, #tpu.memory_space<hbm>>)
      tpu.yield
    }) : () -> ()
    %run_scoped3A_7 = arith.constant 1 : i32
    "tpu.region"() ({
      %run_scoped3A_22 = tpu.sem_alloc : memref<!tpu.dma_semaphore, #tpu.memory_space<semaphore_mem>>
      %dma_start3A = arith.constant 0 : i32
      %dma_start3A_23 = arith.constant 0 : i32
      %dma_start3A_24 = tpu.memref_slice %arg5[%dma_start3A, %dma_start3A_23] : memref<64x1024xf32, #tpu.memory_space<vmem>> -> memref<64x1024xf32, #tpu.memory_space<vmem>>
      %dma_start3A_25 = arith.constant 0 : i32
      %dma_start3A_26 = tpu.memref_slice %arg3[%run_scoped3A_7, %add3A_6, %dma_start3A_25] : memref<4x8192x1024xf32, #tpu.memory_space<hbm>> -> memref<1x64x1024xf32, #tpu.memory_space<hbm>>
      %dma_start3A_27 = tpu.memref_squeeze %dma_start3A_26 : memref<1x64x1024xf32, #tpu.memory_space<hbm>> -> memref<64x1024xf32, #tpu.memory_space<hbm>>
      %dma_start3A_28 = arith.constant 0 : i32
      %dma_start3A_29 = tpu.memref_slice %arg3[%run_scoped3A_7, %add3A_6, %dma_start3A_28] : memref<4x8192x1024xf32, #tpu.memory_space<hbm>> -> memref<1x64x1024xf32, #tpu.memory_space<hbm>>
      %dma_start3A_30 = tpu.memref_squeeze %dma_start3A_29 : memref<1x64x1024xf32, #tpu.memory_space<hbm>> -> memref<64x1024xf32, #tpu.memory_space<hbm>>
      %dma_start3A_31 = arith.constant 0 : i32
      %dma_start3A_32 = arith.constant 0 : i32
      %dma_start3A_33 = tpu.memref_slice %arg5[%dma_start3A_31, %dma_start3A_32] : memref<64x1024xf32, #tpu.memory_space<vmem>> -> memref<64x1024xf32, #tpu.memory_space<vmem>>
      tpu.enqueue_dma source(%dma_start3A_33 : memref<64x1024xf32, #tpu.memory_space<vmem>>) target(%dma_start3A_30 : memref<64x1024xf32, #tpu.memory_space<hbm>>) target_semaphore(%run_scoped3A_22 : memref<!tpu.dma_semaphore, #tpu.memory_space<semaphore_mem>>)
      %dma_wait3A = arith.constant 0 : i32
      %dma_wait3A_34 = arith.constant 0 : i32
      %dma_wait3A_35 = tpu.memref_slice %arg5[%dma_wait3A, %dma_wait3A_34] : memref<64x1024xf32, #tpu.memory_space<vmem>> -> memref<64x1024xf32, #tpu.memory_space<vmem>>
      %dma_wait3A_36 = arith.constant 0 : i32
      %dma_wait3A_37 = tpu.memref_slice %arg3[%run_scoped3A_7, %add3A_6, %dma_wait3A_36] : memref<4x8192x1024xf32, #tpu.memory_space<hbm>> -> memref<1x64x1024xf32, #tpu.memory_space<hbm>>
      %dma_wait3A_38 = tpu.memref_squeeze %dma_wait3A_37 : memref<1x64x1024xf32, #tpu.memory_space<hbm>> -> memref<64x1024xf32, #tpu.memory_space<hbm>>
      %dma_wait3A_39 = arith.constant 0 : i32
      %dma_wait3A_40 = tpu.memref_slice %arg3[%run_scoped3A_7, %add3A_6, %dma_wait3A_39] : memref<4x8192x1024xf32, #tpu.memory_space<hbm>> -> memref<1x64x1024xf32, #tpu.memory_space<hbm>>
      %dma_wait3A_41 = tpu.memref_squeeze %dma_wait3A_40 : memref<1x64x1024xf32, #tpu.memory_space<hbm>> -> memref<64x1024xf32, #tpu.memory_space<hbm>>
      %dma_wait3A_42 = arith.constant 0 : i32
      %dma_wait3A_43 = arith.constant 0 : i32
      %dma_wait3A_44 = tpu.memref_slice %arg5[%dma_wait3A_42, %dma_wait3A_43] : memref<64x1024xf32, #tpu.memory_space<vmem>> -> memref<64x1024xf32, #tpu.memory_space<vmem>>
      tpu.wait_dma2 semaphore(%run_scoped3A_22 : memref<!tpu.dma_semaphore, #tpu.memory_space<semaphore_mem>>) src(%dma_wait3A_44 : memref<64x1024xf32, #tpu.memory_space<vmem>>) dst(%dma_wait3A_41 : memref<64x1024xf32, #tpu.memory_space<hbm>>)
      tpu.yield
    }) : () -> ()
    %run_scoped3A_8 = arith.constant 2 : i32
    "tpu.region"() ({
      %run_scoped3A_22 = tpu.sem_alloc : memref<!tpu.dma_semaphore, #tpu.memory_space<semaphore_mem>>
      %dma_start3A = arith.constant 0 : i32
      %dma_start3A_23 = arith.constant 0 : i32
      %dma_start3A_24 = tpu.memref_slice %arg5[%dma_start3A, %dma_start3A_23] : memref<64x1024xf32, #tpu.memory_space<vmem>> -> memref<64x1024xf32, #tpu.memory_space<vmem>>
      %dma_start3A_25 = arith.constant 0 : i32
      %dma_start3A_26 = tpu.memref_slice %arg3[%run_scoped3A_8, %add3A_6, %dma_start3A_25] : memref<4x8192x1024xf32, #tpu.memory_space<hbm>> -> memref<1x64x1024xf32, #tpu.memory_space<hbm>>
      %dma_start3A_27 = tpu.memref_squeeze %dma_start3A_26 : memref<1x64x1024xf32, #tpu.memory_space<hbm>> -> memref<64x1024xf32, #tpu.memory_space<hbm>>
      %dma_start3A_28 = arith.constant 0 : i32
      %dma_start3A_29 = tpu.memref_slice %arg3[%run_scoped3A_8, %add3A_6, %dma_start3A_28] : memref<4x8192x1024xf32, #tpu.memory_space<hbm>> -> memref<1x64x1024xf32, #tpu.memory_space<hbm>>
      %dma_start3A_30 = tpu.memref_squeeze %dma_start3A_29 : memref<1x64x1024xf32, #tpu.memory_space<hbm>> -> memref<64x1024xf32, #tpu.memory_space<hbm>>
      %dma_start3A_31 = arith.constant 0 : i32
      %dma_start3A_32 = arith.constant 0 : i32
      %dma_start3A_33 = tpu.memref_slice %arg5[%dma_start3A_31, %dma_start3A_32] : memref<64x1024xf32, #tpu.memory_space<vmem>> -> memref<64x1024xf32, #tpu.memory_space<vmem>>
      tpu.enqueue_dma source(%dma_start3A_33 : memref<64x1024xf32, #tpu.memory_space<vmem>>) target(%dma_start3A_30 : memref<64x1024xf32, #tpu.memory_space<hbm>>) target_semaphore(%run_scoped3A_22 : memref<!tpu.dma_semaphore, #tpu.memory_space<semaphore_mem>>)
      %dma_wait3A = arith.constant 0 : i32
      %dma_wait3A_34 = arith.constant 0 : i32
      %dma_wait3A_35 = tpu.memref_slice %arg5[%dma_wait3A, %dma_wait3A_34] : memref<64x1024xf32, #tpu.memory_space<vmem>> -> memref<64x1024xf32, #tpu.memory_space<vmem>>
      %dma_wait3A_36 = arith.constant 0 : i32
      %dma_wait3A_37 = tpu.memref_slice %arg3[%run_scoped3A_8, %add3A_6, %dma_wait3A_36] : memref<4x8192x1024xf32, #tpu.memory_space<hbm>> -> memref<1x64x1024xf32, #tpu.memory_space<hbm>>
      %dma_wait3A_38 = tpu.memref_squeeze %dma_wait3A_37 : memref<1x64x1024xf32, #tpu.memory_space<hbm>> -> memref<64x1024xf32, #tpu.memory_space<hbm>>
      %dma_wait3A_39 = arith.constant 0 : i32
      %dma_wait3A_40 = tpu.memref_slice %arg3[%run_scoped3A_8, %add3A_6, %dma_wait3A_39] : memref<4x8192x1024xf32, #tpu.memory_space<hbm>> -> memref<1x64x1024xf32, #tpu.memory_space<hbm>>
      %dma_wait3A_41 = tpu.memref_squeeze %dma_wait3A_40 : memref<1x64x1024xf32, #tpu.memory_space<hbm>> -> memref<64x1024xf32, #tpu.memory_space<hbm>>
      %dma_wait3A_42 = arith.constant 0 : i32
      %dma_wait3A_43 = arith.constant 0 : i32
      %dma_wait3A_44 = tpu.memref_slice %arg5[%dma_wait3A_42, %dma_wait3A_43] : memref<64x1024xf32, #tpu.memory_space<vmem>> -> memref<64x1024xf32, #tpu.memory_space<vmem>>
      tpu.wait_dma2 semaphore(%run_scoped3A_22 : memref<!tpu.dma_semaphore, #tpu.memory_space<semaphore_mem>>) src(%dma_wait3A_44 : memref<64x1024xf32, #tpu.memory_space<vmem>>) dst(%dma_wait3A_41 : memref<64x1024xf32, #tpu.memory_space<hbm>>)
      tpu.yield
    }) : () -> ()
    %run_scoped3A_9 = arith.constant 3 : i32
    "tpu.region"() ({
      %run_scoped3A_22 = tpu.sem_alloc : memref<!tpu.dma_semaphore, #tpu.memory_space<semaphore_mem>>
      %dma_start3A = arith.constant 0 : i32
      %dma_start3A_23 = arith.constant 0 : i32
      %dma_start3A_24 = tpu.memref_slice %arg5[%dma_start3A, %dma_start3A_23] : memref<64x1024xf32, #tpu.memory_space<vmem>> -> memref<64x1024xf32, #tpu.memory_space<vmem>>
      %dma_start3A_25 = arith.constant 0 : i32
      %dma_start3A_26 = tpu.memref_slice %arg3[%run_scoped3A_9, %add3A_6, %dma_start3A_25] : memref<4x8192x1024xf32, #tpu.memory_space<hbm>> -> memref<1x64x1024xf32, #tpu.memory_space<hbm>>
      %dma_start3A_27 = tpu.memref_squeeze %dma_start3A_26 : memref<1x64x1024xf32, #tpu.memory_space<hbm>> -> memref<64x1024xf32, #tpu.memory_space<hbm>>
      %dma_start3A_28 = arith.constant 0 : i32
      %dma_start3A_29 = tpu.memref_slice %arg3[%run_scoped3A_9, %add3A_6, %dma_start3A_28] : memref<4x8192x1024xf32, #tpu.memory_space<hbm>> -> memref<1x64x1024xf32, #tpu.memory_space<hbm>>
      %dma_start3A_30 = tpu.memref_squeeze %dma_start3A_29 : memref<1x64x1024xf32, #tpu.memory_space<hbm>> -> memref<64x1024xf32, #tpu.memory_space<hbm>>
      %dma_start3A_31 = arith.constant 0 : i32
      %dma_start3A_32 = arith.constant 0 : i32
      %dma_start3A_33 = tpu.memref_slice %arg5[%dma_start3A_31, %dma_start3A_32] : memref<64x1024xf32, #tpu.memory_space<vmem>> -> memref<64x1024xf32, #tpu.memory_space<vmem>>
      tpu.enqueue_dma source(%dma_start3A_33 : memref<64x1024xf32, #tpu.memory_space<vmem>>) target(%dma_start3A_30 : memref<64x1024xf32, #tpu.memory_space<hbm>>) target_semaphore(%run_scoped3A_22 : memref<!tpu.dma_semaphore, #tpu.memory_space<semaphore_mem>>)
      %dma_wait3A = arith.constant 0 : i32
      %dma_wait3A_34 = arith.constant 0 : i32
      %dma_wait3A_35 = tpu.memref_slice %arg5[%dma_wait3A, %dma_wait3A_34] : memref<64x1024xf32, #tpu.memory_space<vmem>> -> memref<64x1024xf32, #tpu.memory_space<vmem>>
      %dma_wait3A_36 = arith.constant 0 : i32
      %dma_wait3A_37 = tpu.memref_slice %arg3[%run_scoped3A_9, %add3A_6, %dma_wait3A_36] : memref<4x8192x1024xf32, #tpu.memory_space<hbm>> -> memref<1x64x1024xf32, #tpu.memory_space<hbm>>
      %dma_wait3A_38 = tpu.memref_squeeze %dma_wait3A_37 : memref<1x64x1024xf32, #tpu.memory_space<hbm>> -> memref<64x1024xf32, #tpu.memory_space<hbm>>
      %dma_wait3A_39 = arith.constant 0 : i32
      %dma_wait3A_40 = tpu.memref_slice %arg3[%run_scoped3A_9, %add3A_6, %dma_wait3A_39] : memref<4x8192x1024xf32, #tpu.memory_space<hbm>> -> memref<1x64x1024xf32, #tpu.memory_space<hbm>>
      %dma_wait3A_41 = tpu.memref_squeeze %dma_wait3A_40 : memref<1x64x1024xf32, #tpu.memory_space<hbm>> -> memref<64x1024xf32, #tpu.memory_space<hbm>>
      %dma_wait3A_42 = arith.constant 0 : i32
      %dma_wait3A_43 = arith.constant 0 : i32
      %dma_wait3A_44 = tpu.memref_slice %arg5[%dma_wait3A_42, %dma_wait3A_43] : memref<64x1024xf32, #tpu.memory_space<vmem>> -> memref<64x1024xf32, #tpu.memory_space<vmem>>
      tpu.wait_dma2 semaphore(%run_scoped3A_22 : memref<!tpu.dma_semaphore, #tpu.memory_space<semaphore_mem>>) src(%dma_wait3A_44 : memref<64x1024xf32, #tpu.memory_space<vmem>>) dst(%dma_wait3A_41 : memref<64x1024xf32, #tpu.memory_space<hbm>>)
      tpu.yield
    }) : () -> ()
    %add3A_10 = arith.constant 64 : i32
    %add3A_11 = arith.addi %add3A_4, %add3A_10 : i32
    "tpu.region"() ({
      %run_scoped3A_22 = tpu.sem_alloc : memref<!tpu.dma_semaphore, #tpu.memory_space<semaphore_mem>>
      %dma_start3A = arith.constant 0 : i32
      %dma_start3A_23 = arith.constant 0 : i32
      %dma_start3A_24 = tpu.memref_slice %arg5[%dma_start3A, %dma_start3A_23] : memref<64x1024xf32, #tpu.memory_space<vmem>> -> memref<64x1024xf32, #tpu.memory_space<vmem>>
      %dma_start3A_25 = arith.constant 0 : i32
      %dma_start3A_26 = tpu.memref_slice %arg2[%add3A_11, %dma_start3A_25] : memref<8192x1024xf32, #tpu.memory_space<hbm>> -> memref<64x1024xf32, #tpu.memory_space<hbm>>
      %dma_start3A_27 = arith.constant 0 : i32
      %dma_start3A_28 = arith.constant 0 : i32
      %dma_start3A_29 = tpu.memref_slice %arg5[%dma_start3A_27, %dma_start3A_28] : memref<64x1024xf32, #tpu.memory_space<vmem>> -> memref<64x1024xf32, #tpu.memory_space<vmem>>
      %dma_start3A_30 = arith.constant 0 : i32
      %dma_start3A_31 = tpu.memref_slice %arg2[%add3A_11, %dma_start3A_30] : memref<8192x1024xf32, #tpu.memory_space<hbm>> -> memref<64x1024xf32, #tpu.memory_space<hbm>>
      tpu.enqueue_dma source(%dma_start3A_31 : memref<64x1024xf32, #tpu.memory_space<hbm>>) target(%dma_start3A_29 : memref<64x1024xf32, #tpu.memory_space<vmem>>) target_semaphore(%run_scoped3A_22 : memref<!tpu.dma_semaphore, #tpu.memory_space<semaphore_mem>>)
      %dma_wait3A = arith.constant 0 : i32
      %dma_wait3A_32 = arith.constant 0 : i32
      %dma_wait3A_33 = tpu.memref_slice %arg5[%dma_wait3A, %dma_wait3A_32] : memref<64x1024xf32, #tpu.memory_space<vmem>> -> memref<64x1024xf32, #tpu.memory_space<vmem>>
      %dma_wait3A_34 = arith.constant 0 : i32
      %dma_wait3A_35 = tpu.memref_slice %arg2[%add3A_11, %dma_wait3A_34] : memref<8192x1024xf32, #tpu.memory_space<hbm>> -> memref<64x1024xf32, #tpu.memory_space<hbm>>
      %dma_wait3A_36 = arith.constant 0 : i32
      %dma_wait3A_37 = arith.constant 0 : i32
      %dma_wait3A_38 = tpu.memref_slice %arg5[%dma_wait3A_36, %dma_wait3A_37] : memref<64x1024xf32, #tpu.memory_space<vmem>> -> memref<64x1024xf32, #tpu.memory_space<vmem>>
      %dma_wait3A_39 = arith.constant 0 : i32
      %dma_wait3A_40 = tpu.memref_slice %arg2[%add3A_11, %dma_wait3A_39] : memref<8192x1024xf32, #tpu.memory_space<hbm>> -> memref<64x1024xf32, #tpu.memory_space<hbm>>
      tpu.wait_dma2 semaphore(%run_scoped3A_22 : memref<!tpu.dma_semaphore, #tpu.memory_space<semaphore_mem>>) src(%dma_wait3A_40 : memref<64x1024xf32, #tpu.memory_space<hbm>>) dst(%dma_wait3A_38 : memref<64x1024xf32, #tpu.memory_space<vmem>>)
      tpu.yield
    }) : () -> ()
    %run_scoped3A_12 = arith.constant 0 : i32
    "tpu.region"() ({
      %run_scoped3A_22 = tpu.sem_alloc : memref<!tpu.dma_semaphore, #tpu.memory_space<semaphore_mem>>
      %dma_start3A = arith.constant 0 : i32
      %dma_start3A_23 = arith.constant 0 : i32
      %dma_start3A_24 = tpu.memref_slice %arg5[%dma_start3A, %dma_start3A_23] : memref<64x1024xf32, #tpu.memory_space<vmem>> -> memref<64x1024xf32, #tpu.memory_space<vmem>>
      %dma_start3A_25 = arith.constant 0 : i32
      %dma_start3A_26 = tpu.memref_slice %arg3[%run_scoped3A_12, %add3A_11, %dma_start3A_25] : memref<4x8192x1024xf32, #tpu.memory_space<hbm>> -> memref<1x64x1024xf32, #tpu.memory_space<hbm>>
      %dma_start3A_27 = tpu.memref_squeeze %dma_start3A_26 : memref<1x64x1024xf32, #tpu.memory_space<hbm>> -> memref<64x1024xf32, #tpu.memory_space<hbm>>
      %dma_start3A_28 = arith.constant 0 : i32
      %dma_start3A_29 = tpu.memref_slice %arg3[%run_scoped3A_12, %add3A_11, %dma_start3A_28] : memref<4x8192x1024xf32, #tpu.memory_space<hbm>> -> memref<1x64x1024xf32, #tpu.memory_space<hbm>>
      %dma_start3A_30 = tpu.memref_squeeze %dma_start3A_29 : memref<1x64x1024xf32, #tpu.memory_space<hbm>> -> memref<64x1024xf32, #tpu.memory_space<hbm>>
      %dma_start3A_31 = arith.constant 0 : i32
      %dma_start3A_32 = arith.constant 0 : i32
      %dma_start3A_33 = tpu.memref_slice %arg5[%dma_start3A_31, %dma_start3A_32] : memref<64x1024xf32, #tpu.memory_space<vmem>> -> memref<64x1024xf32, #tpu.memory_space<vmem>>
      tpu.enqueue_dma source(%dma_start3A_33 : memref<64x1024xf32, #tpu.memory_space<vmem>>) target(%dma_start3A_30 : memref<64x1024xf32, #tpu.memory_space<hbm>>) target_semaphore(%run_scoped3A_22 : memref<!tpu.dma_semaphore, #tpu.memory_space<semaphore_mem>>)
      %dma_wait3A = arith.constant 0 : i32
      %dma_wait3A_34 = arith.constant 0 : i32
      %dma_wait3A_35 = tpu.memref_slice %arg5[%dma_wait3A, %dma_wait3A_34] : memref<64x1024xf32, #tpu.memory_space<vmem>> -> memref<64x1024xf32, #tpu.memory_space<vmem>>
      %dma_wait3A_36 = arith.constant 0 : i32
      %dma_wait3A_37 = tpu.memref_slice %arg3[%run_scoped3A_12, %add3A_11, %dma_wait3A_36] : memref<4x8192x1024xf32, #tpu.memory_space<hbm>> -> memref<1x64x1024xf32, #tpu.memory_space<hbm>>
      %dma_wait3A_38 = tpu.memref_squeeze %dma_wait3A_37 : memref<1x64x1024xf32, #tpu.memory_space<hbm>> -> memref<64x1024xf32, #tpu.memory_space<hbm>>
      %dma_wait3A_39 = arith.constant 0 : i32
      %dma_wait3A_40 = tpu.memref_slice %arg3[%run_scoped3A_12, %add3A_11, %dma_wait3A_39] : memref<4x8192x1024xf32, #tpu.memory_space<hbm>> -> memref<1x64x1024xf32, #tpu.memory_space<hbm>>
      %dma_wait3A_41 = tpu.memref_squeeze %dma_wait3A_40 : memref<1x64x1024xf32, #tpu.memory_space<hbm>> -> memref<64x1024xf32, #tpu.memory_space<hbm>>
      %dma_wait3A_42 = arith.constant 0 : i32
      %dma_wait3A_43 = arith.constant 0 : i32
      %dma_wait3A_44 = tpu.memref_slice %arg5[%dma_wait3A_42, %dma_wait3A_43] : memref<64x1024xf32, #tpu.memory_space<vmem>> -> memref<64x1024xf32, #tpu.memory_space<vmem>>
      tpu.wait_dma2 semaphore(%run_scoped3A_22 : memref<!tpu.dma_semaphore, #tpu.memory_space<semaphore_mem>>) src(%dma_wait3A_44 : memref<64x1024xf32, #tpu.memory_space<vmem>>) dst(%dma_wait3A_41 : memref<64x1024xf32, #tpu.memory_space<hbm>>)
      tpu.yield
    }) : () -> ()
    %run_scoped3A_13 = arith.constant 1 : i32
    "tpu.region"() ({
      %run_scoped3A_22 = tpu.sem_alloc : memref<!tpu.dma_semaphore, #tpu.memory_space<semaphore_mem>>
      %dma_start3A = arith.constant 0 : i32
      %dma_start3A_23 = arith.constant 0 : i32
      %dma_start3A_24 = tpu.memref_slice %arg5[%dma_start3A, %dma_start3A_23] : memref<64x1024xf32, #tpu.memory_space<vmem>> -> memref<64x1024xf32, #tpu.memory_space<vmem>>
      %dma_start3A_25 = arith.constant 0 : i32
      %dma_start3A_26 = tpu.memref_slice %arg3[%run_scoped3A_13, %add3A_11, %dma_start3A_25] : memref<4x8192x1024xf32, #tpu.memory_space<hbm>> -> memref<1x64x1024xf32, #tpu.memory_space<hbm>>
      %dma_start3A_27 = tpu.memref_squeeze %dma_start3A_26 : memref<1x64x1024xf32, #tpu.memory_space<hbm>> -> memref<64x1024xf32, #tpu.memory_space<hbm>>
      %dma_start3A_28 = arith.constant 0 : i32
      %dma_start3A_29 = tpu.memref_slice %arg3[%run_scoped3A_13, %add3A_11, %dma_start3A_28] : memref<4x8192x1024xf32, #tpu.memory_space<hbm>> -> memref<1x64x1024xf32, #tpu.memory_space<hbm>>
      %dma_start3A_30 = tpu.memref_squeeze %dma_start3A_29 : memref<1x64x1024xf32, #tpu.memory_space<hbm>> -> memref<64x1024xf32, #tpu.memory_space<hbm>>
      %dma_start3A_31 = arith.constant 0 : i32
      %dma_start3A_32 = arith.constant 0 : i32
      %dma_start3A_33 = tpu.memref_slice %arg5[%dma_start3A_31, %dma_start3A_32] : memref<64x1024xf32, #tpu.memory_space<vmem>> -> memref<64x1024xf32, #tpu.memory_space<vmem>>
      tpu.enqueue_dma source(%dma_start3A_33 : memref<64x1024xf32, #tpu.memory_space<vmem>>) target(%dma_start3A_30 : memref<64x1024xf32, #tpu.memory_space<hbm>>) target_semaphore(%run_scoped3A_22 : memref<!tpu.dma_semaphore, #tpu.memory_space<semaphore_mem>>)
      %dma_wait3A = arith.constant 0 : i32
      %dma_wait3A_34 = arith.constant 0 : i32
      %dma_wait3A_35 = tpu.memref_slice %arg5[%dma_wait3A, %dma_wait3A_34] : memref<64x1024xf32, #tpu.memory_space<vmem>> -> memref<64x1024xf32, #tpu.memory_space<vmem>>
      %dma_wait3A_36 = arith.constant 0 : i32
      %dma_wait3A_37 = tpu.memref_slice %arg3[%run_scoped3A_13, %add3A_11, %dma_wait3A_36] : memref<4x8192x1024xf32, #tpu.memory_space<hbm>> -> memref<1x64x1024xf32, #tpu.memory_space<hbm>>
      %dma_wait3A_38 = tpu.memref_squeeze %dma_wait3A_37 : memref<1x64x1024xf32, #tpu.memory_space<hbm>> -> memref<64x1024xf32, #tpu.memory_space<hbm>>
      %dma_wait3A_39 = arith.constant 0 : i32
      %dma_wait3A_40 = tpu.memref_slice %arg3[%run_scoped3A_13, %add3A_11, %dma_wait3A_39] : memref<4x8192x1024xf32, #tpu.memory_space<hbm>> -> memref<1x64x1024xf32, #tpu.memory_space<hbm>>
      %dma_wait3A_41 = tpu.memref_squeeze %dma_wait3A_40 : memref<1x64x1024xf32, #tpu.memory_space<hbm>> -> memref<64x1024xf32, #tpu.memory_space<hbm>>
      %dma_wait3A_42 = arith.constant 0 : i32
      %dma_wait3A_43 = arith.constant 0 : i32
      %dma_wait3A_44 = tpu.memref_slice %arg5[%dma_wait3A_42, %dma_wait3A_43] : memref<64x1024xf32, #tpu.memory_space<vmem>> -> memref<64x1024xf32, #tpu.memory_space<vmem>>
      tpu.wait_dma2 semaphore(%run_scoped3A_22 : memref<!tpu.dma_semaphore, #tpu.memory_space<semaphore_mem>>) src(%dma_wait3A_44 : memref<64x1024xf32, #tpu.memory_space<vmem>>) dst(%dma_wait3A_41 : memref<64x1024xf32, #tpu.memory_space<hbm>>)
      tpu.yield
    }) : () -> ()
    %run_scoped3A_14 = arith.constant 2 : i32
    "tpu.region"() ({
      %run_scoped3A_22 = tpu.sem_alloc : memref<!tpu.dma_semaphore, #tpu.memory_space<semaphore_mem>>
      %dma_start3A = arith.constant 0 : i32
      %dma_start3A_23 = arith.constant 0 : i32
      %dma_start3A_24 = tpu.memref_slice %arg5[%dma_start3A, %dma_start3A_23] : memref<64x1024xf32, #tpu.memory_space<vmem>> -> memref<64x1024xf32, #tpu.memory_space<vmem>>
      %dma_start3A_25 = arith.constant 0 : i32
      %dma_start3A_26 = tpu.memref_slice %arg3[%run_scoped3A_14, %add3A_11, %dma_start3A_25] : memref<4x8192x1024xf32, #tpu.memory_space<hbm>> -> memref<1x64x1024xf32, #tpu.memory_space<hbm>>
      %dma_start3A_27 = tpu.memref_squeeze %dma_start3A_26 : memref<1x64x1024xf32, #tpu.memory_space<hbm>> -> memref<64x1024xf32, #tpu.memory_space<hbm>>
      %dma_start3A_28 = arith.constant 0 : i32
      %dma_start3A_29 = tpu.memref_slice %arg3[%run_scoped3A_14, %add3A_11, %dma_start3A_28] : memref<4x8192x1024xf32, #tpu.memory_space<hbm>> -> memref<1x64x1024xf32, #tpu.memory_space<hbm>>
      %dma_start3A_30 = tpu.memref_squeeze %dma_start3A_29 : memref<1x64x1024xf32, #tpu.memory_space<hbm>> -> memref<64x1024xf32, #tpu.memory_space<hbm>>
      %dma_start3A_31 = arith.constant 0 : i32
      %dma_start3A_32 = arith.constant 0 : i32
      %dma_start3A_33 = tpu.memref_slice %arg5[%dma_start3A_31, %dma_start3A_32] : memref<64x1024xf32, #tpu.memory_space<vmem>> -> memref<64x1024xf32, #tpu.memory_space<vmem>>
      tpu.enqueue_dma source(%dma_start3A_33 : memref<64x1024xf32, #tpu.memory_space<vmem>>) target(%dma_start3A_30 : memref<64x1024xf32, #tpu.memory_space<hbm>>) target_semaphore(%run_scoped3A_22 : memref<!tpu.dma_semaphore, #tpu.memory_space<semaphore_mem>>)
      %dma_wait3A = arith.constant 0 : i32
      %dma_wait3A_34 = arith.constant 0 : i32
      %dma_wait3A_35 = tpu.memref_slice %arg5[%dma_wait3A, %dma_wait3A_34] : memref<64x1024xf32, #tpu.memory_space<vmem>> -> memref<64x1024xf32, #tpu.memory_space<vmem>>
      %dma_wait3A_36 = arith.constant 0 : i32
      %dma_wait3A_37 = tpu.memref_slice %arg3[%run_scoped3A_14, %add3A_11, %dma_wait3A_36] : memref<4x8192x1024xf32, #tpu.memory_space<hbm>> -> memref<1x64x1024xf32, #tpu.memory_space<hbm>>
      %dma_wait3A_38 = tpu.memref_squeeze %dma_wait3A_37 : memref<1x64x1024xf32, #tpu.memory_space<hbm>> -> memref<64x1024xf32, #tpu.memory_space<hbm>>
      %dma_wait3A_39 = arith.constant 0 : i32
      %dma_wait3A_40 = tpu.memref_slice %arg3[%run_scoped3A_14, %add3A_11, %dma_wait3A_39] : memref<4x8192x1024xf32, #tpu.memory_space<hbm>> -> memref<1x64x1024xf32, #tpu.memory_space<hbm>>
      %dma_wait3A_41 = tpu.memref_squeeze %dma_wait3A_40 : memref<1x64x1024xf32, #tpu.memory_space<hbm>> -> memref<64x1024xf32, #tpu.memory_space<hbm>>
      %dma_wait3A_42 = arith.constant 0 : i32
      %dma_wait3A_43 = arith.constant 0 : i32
      %dma_wait3A_44 = tpu.memref_slice %arg5[%dma_wait3A_42, %dma_wait3A_43] : memref<64x1024xf32, #tpu.memory_space<vmem>> -> memref<64x1024xf32, #tpu.memory_space<vmem>>
      tpu.wait_dma2 semaphore(%run_scoped3A_22 : memref<!tpu.dma_semaphore, #tpu.memory_space<semaphore_mem>>) src(%dma_wait3A_44 : memref<64x1024xf32, #tpu.memory_space<vmem>>) dst(%dma_wait3A_41 : memref<64x1024xf32, #tpu.memory_space<hbm>>)
      tpu.yield
    }) : () -> ()
    %run_scoped3A_15 = arith.constant 3 : i32
    "tpu.region"() ({
      %run_scoped3A_22 = tpu.sem_alloc : memref<!tpu.dma_semaphore, #tpu.memory_space<semaphore_mem>>
      %dma_start3A = arith.constant 0 : i32
      %dma_start3A_23 = arith.constant 0 : i32
      %dma_start3A_24 = tpu.memref_slice %arg5[%dma_start3A, %dma_start3A_23] : memref<64x1024xf32, #tpu.memory_space<vmem>> -> memref<64x1024xf32, #tpu.memory_space<vmem>>
      %dma_start3A_25 = arith.constant 0 : i32
      %dma_start3A_26 = tpu.memref_slice %arg3[%run_scoped3A_15, %add3A_11, %dma_start3A_25] : memref<4x8192x1024xf32, #tpu.memory_space<hbm>> -> memref<1x64x1024xf32, #tpu.memory_space<hbm>>
      %dma_start3A_27 = tpu.memref_squeeze %dma_start3A_26 : memref<1x64x1024xf32, #tpu.memory_space<hbm>> -> memref<64x1024xf32, #tpu.memory_space<hbm>>
      %dma_start3A_28 = arith.constant 0 : i32
      %dma_start3A_29 = tpu.memref_slice %arg3[%run_scoped3A_15, %add3A_11, %dma_start3A_28] : memref<4x8192x1024xf32, #tpu.memory_space<hbm>> -> memref<1x64x1024xf32, #tpu.memory_space<hbm>>
      %dma_start3A_30 = tpu.memref_squeeze %dma_start3A_29 : memref<1x64x1024xf32, #tpu.memory_space<hbm>> -> memref<64x1024xf32, #tpu.memory_space<hbm>>
      %dma_start3A_31 = arith.constant 0 : i32
      %dma_start3A_32 = arith.constant 0 : i32
      %dma_start3A_33 = tpu.memref_slice %arg5[%dma_start3A_31, %dma_start3A_32] : memref<64x1024xf32, #tpu.memory_space<vmem>> -> memref<64x1024xf32, #tpu.memory_space<vmem>>
      tpu.enqueue_dma source(%dma_start3A_33 : memref<64x1024xf32, #tpu.memory_space<vmem>>) target(%dma_start3A_30 : memref<64x1024xf32, #tpu.memory_space<hbm>>) target_semaphore(%run_scoped3A_22 : memref<!tpu.dma_semaphore, #tpu.memory_space<semaphore_mem>>)
      %dma_wait3A = arith.constant 0 : i32
      %dma_wait3A_34 = arith.constant 0 : i32
      %dma_wait3A_35 = tpu.memref_slice %arg5[%dma_wait3A, %dma_wait3A_34] : memref<64x1024xf32, #tpu.memory_space<vmem>> -> memref<64x1024xf32, #tpu.memory_space<vmem>>
      %dma_wait3A_36 = arith.constant 0 : i32
      %dma_wait3A_37 = tpu.memref_slice %arg3[%run_scoped3A_15, %add3A_11, %dma_wait3A_36] : memref<4x8192x1024xf32, #tpu.memory_space<hbm>> -> memref<1x64x1024xf32, #tpu.memory_space<hbm>>
      %dma_wait3A_38 = tpu.memref_squeeze %dma_wait3A_37 : memref<1x64x1024xf32, #tpu.memory_space<hbm>> -> memref<64x1024xf32, #tpu.memory_space<hbm>>
      %dma_wait3A_39 = arith.constant 0 : i32
      %dma_wait3A_40 = tpu.memref_slice %arg3[%run_scoped3A_15, %add3A_11, %dma_wait3A_39] : memref<4x8192x1024xf32, #tpu.memory_space<hbm>> -> memref<1x64x1024xf32, #tpu.memory_space<hbm>>
      %dma_wait3A_41 = tpu.memref_squeeze %dma_wait3A_40 : memref<1x64x1024xf32, #tpu.memory_space<hbm>> -> memref<64x1024xf32, #tpu.memory_space<hbm>>
      %dma_wait3A_42 = arith.constant 0 : i32
      %dma_wait3A_43 = arith.constant 0 : i32
      %dma_wait3A_44 = tpu.memref_slice %arg5[%dma_wait3A_42, %dma_wait3A_43] : memref<64x1024xf32, #tpu.memory_space<vmem>> -> memref<64x1024xf32, #tpu.memory_space<vmem>>
      tpu.wait_dma2 semaphore(%run_scoped3A_22 : memref<!tpu.dma_semaphore, #tpu.memory_space<semaphore_mem>>) src(%dma_wait3A_44 : memref<64x1024xf32, #tpu.memory_space<vmem>>) dst(%dma_wait3A_41 : memref<64x1024xf32, #tpu.memory_space<hbm>>)
      tpu.yield
    }) : () -> ()
    %add3A_16 = arith.constant 128 : i32
    %add3A_17 = arith.addi %add3A_4, %add3A_16 : i32
    "tpu.region"() ({
      %run_scoped3A_22 = tpu.sem_alloc : memref<!tpu.dma_semaphore, #tpu.memory_space<semaphore_mem>>
      %dma_start3A = arith.constant 0 : i32
      %dma_start3A_23 = arith.constant 0 : i32
      %dma_start3A_24 = tpu.memref_slice %arg5[%dma_start3A, %dma_start3A_23] : memref<64x1024xf32, #tpu.memory_space<vmem>> -> memref<48x1024xf32, #tpu.memory_space<vmem>>
      %dma_start3A_25 = arith.constant 0 : i32
      %dma_start3A_26 = tpu.memref_slice %arg2[%add3A_17, %dma_start3A_25] : memref<8192x1024xf32, #tpu.memory_space<hbm>> -> memref<48x1024xf32, #tpu.memory_space<hbm>>
      %dma_start3A_27 = arith.constant 0 : i32
      %dma_start3A_28 = arith.constant 0 : i32
      %dma_start3A_29 = tpu.memref_slice %arg5[%dma_start3A_27, %dma_start3A_28] : memref<64x1024xf32, #tpu.memory_space<vmem>> -> memref<48x1024xf32, #tpu.memory_space<vmem>>
      %dma_start3A_30 = arith.constant 0 : i32
      %dma_start3A_31 = tpu.memref_slice %arg2[%add3A_17, %dma_start3A_30] : memref<8192x1024xf32, #tpu.memory_space<hbm>> -> memref<48x1024xf32, #tpu.memory_space<hbm>>
      tpu.enqueue_dma source(%dma_start3A_31 : memref<48x1024xf32, #tpu.memory_space<hbm>>) target(%dma_start3A_29 : memref<48x1024xf32, #tpu.memory_space<vmem>>) target_semaphore(%run_scoped3A_22 : memref<!tpu.dma_semaphore, #tpu.memory_space<semaphore_mem>>)
      %dma_wait3A = arith.constant 0 : i32
      %dma_wait3A_32 = arith.constant 0 : i32
      %dma_wait3A_33 = tpu.memref_slice %arg5[%dma_wait3A, %dma_wait3A_32] : memref<64x1024xf32, #tpu.memory_space<vmem>> -> memref<48x1024xf32, #tpu.memory_space<vmem>>
      %dma_wait3A_34 = arith.constant 0 : i32
      %dma_wait3A_35 = tpu.memref_slice %arg2[%add3A_17, %dma_wait3A_34] : memref<8192x1024xf32, #tpu.memory_space<hbm>> -> memref<48x1024xf32, #tpu.memory_space<hbm>>
      %dma_wait3A_36 = arith.constant 0 : i32
      %dma_wait3A_37 = arith.constant 0 : i32
      %dma_wait3A_38 = tpu.memref_slice %arg5[%dma_wait3A_36, %dma_wait3A_37] : memref<64x1024xf32, #tpu.memory_space<vmem>> -> memref<48x1024xf32, #tpu.memory_space<vmem>>
      %dma_wait3A_39 = arith.constant 0 : i32
      %dma_wait3A_40 = tpu.memref_slice %arg2[%add3A_17, %dma_wait3A_39] : memref<8192x1024xf32, #tpu.memory_space<hbm>> -> memref<48x1024xf32, #tpu.memory_space<hbm>>
      tpu.wait_dma2 semaphore(%run_scoped3A_22 : memref<!tpu.dma_semaphore, #tpu.memory_space<semaphore_mem>>) src(%dma_wait3A_40 : memref<48x1024xf32, #tpu.memory_space<hbm>>) dst(%dma_wait3A_38 : memref<48x1024xf32, #tpu.memory_space<vmem>>)
      tpu.yield
    }) : () -> ()
    %run_scoped3A_18 = arith.constant 0 : i32
    "tpu.region"() ({
      %run_scoped3A_22 = tpu.sem_alloc : memref<!tpu.dma_semaphore, #tpu.memory_space<semaphore_mem>>
      %dma_start3A = arith.constant 0 : i32
      %dma_start3A_23 = arith.constant 0 : i32
      %dma_start3A_24 = tpu.memref_slice %arg5[%dma_start3A, %dma_start3A_23] : memref<64x1024xf32, #tpu.memory_space<vmem>> -> memref<48x1024xf32, #tpu.memory_space<vmem>>
      %dma_start3A_25 = arith.constant 0 : i32
      %dma_start3A_26 = tpu.memref_slice %arg3[%run_scoped3A_18, %add3A_17, %dma_start3A_25] : memref<4x8192x1024xf32, #tpu.memory_space<hbm>> -> memref<1x48x1024xf32, #tpu.memory_space<hbm>>
      %dma_start3A_27 = tpu.memref_squeeze %dma_start3A_26 : memref<1x48x1024xf32, #tpu.memory_space<hbm>> -> memref<48x1024xf32, #tpu.memory_space<hbm>>
      %dma_start3A_28 = arith.constant 0 : i32
      %dma_start3A_29 = tpu.memref_slice %arg3[%run_scoped3A_18, %add3A_17, %dma_start3A_28] : memref<4x8192x1024xf32, #tpu.memory_space<hbm>> -> memref<1x48x1024xf32, #tpu.memory_space<hbm>>
      %dma_start3A_30 = tpu.memref_squeeze %dma_start3A_29 : memref<1x48x1024xf32, #tpu.memory_space<hbm>> -> memref<48x1024xf32, #tpu.memory_space<hbm>>
      %dma_start3A_31 = arith.constant 0 : i32
      %dma_start3A_32 = arith.constant 0 : i32
      %dma_start3A_33 = tpu.memref_slice %arg5[%dma_start3A_31, %dma_start3A_32] : memref<64x1024xf32, #tpu.memory_space<vmem>> -> memref<48x1024xf32, #tpu.memory_space<vmem>>
      tpu.enqueue_dma source(%dma_start3A_33 : memref<48x1024xf32, #tpu.memory_space<vmem>>) target(%dma_start3A_30 : memref<48x1024xf32, #tpu.memory_space<hbm>>) target_semaphore(%run_scoped3A_22 : memref<!tpu.dma_semaphore, #tpu.memory_space<semaphore_mem>>)
      %dma_wait3A = arith.constant 0 : i32
      %dma_wait3A_34 = arith.constant 0 : i32
      %dma_wait3A_35 = tpu.memref_slice %arg5[%dma_wait3A, %dma_wait3A_34] : memref<64x1024xf32, #tpu.memory_space<vmem>> -> memref<48x1024xf32, #tpu.memory_space<vmem>>
      %dma_wait3A_36 = arith.constant 0 : i32
      %dma_wait3A_37 = tpu.memref_slice %arg3[%run_scoped3A_18, %add3A_17, %dma_wait3A_36] : memref<4x8192x1024xf32, #tpu.memory_space<hbm>> -> memref<1x48x1024xf32, #tpu.memory_space<hbm>>
      %dma_wait3A_38 = tpu.memref_squeeze %dma_wait3A_37 : memref<1x48x1024xf32, #tpu.memory_space<hbm>> -> memref<48x1024xf32, #tpu.memory_space<hbm>>
      %dma_wait3A_39 = arith.constant 0 : i32
      %dma_wait3A_40 = tpu.memref_slice %arg3[%run_scoped3A_18, %add3A_17, %dma_wait3A_39] : memref<4x8192x1024xf32, #tpu.memory_space<hbm>> -> memref<1x48x1024xf32, #tpu.memory_space<hbm>>
      %dma_wait3A_41 = tpu.memref_squeeze %dma_wait3A_40 : memref<1x48x1024xf32, #tpu.memory_space<hbm>> -> memref<48x1024xf32, #tpu.memory_space<hbm>>
      %dma_wait3A_42 = arith.constant 0 : i32
      %dma_wait3A_43 = arith.constant 0 : i32
      %dma_wait3A_44 = tpu.memref_slice %arg5[%dma_wait3A_42, %dma_wait3A_43] : memref<64x1024xf32, #tpu.memory_space<vmem>> -> memref<48x1024xf32, #tpu.memory_space<vmem>>
      tpu.wait_dma2 semaphore(%run_scoped3A_22 : memref<!tpu.dma_semaphore, #tpu.memory_space<semaphore_mem>>) src(%dma_wait3A_44 : memref<48x1024xf32, #tpu.memory_space<vmem>>) dst(%dma_wait3A_41 : memref<48x1024xf32, #tpu.memory_space<hbm>>)
      tpu.yield
    }) : () -> ()
    %run_scoped3A_19 = arith.constant 1 : i32
    "tpu.region"() ({
      %run_scoped3A_22 = tpu.sem_alloc : memref<!tpu.dma_semaphore, #tpu.memory_space<semaphore_mem>>
      %dma_start3A = arith.constant 0 : i32
      %dma_start3A_23 = arith.constant 0 : i32
      %dma_start3A_24 = tpu.memref_slice %arg5[%dma_start3A, %dma_start3A_23] : memref<64x1024xf32, #tpu.memory_space<vmem>> -> memref<48x1024xf32, #tpu.memory_space<vmem>>
      %dma_start3A_25 = arith.constant 0 : i32
      %dma_start3A_26 = tpu.memref_slice %arg3[%run_scoped3A_19, %add3A_17, %dma_start3A_25] : memref<4x8192x1024xf32, #tpu.memory_space<hbm>> -> memref<1x48x1024xf32, #tpu.memory_space<hbm>>
      %dma_start3A_27 = tpu.memref_squeeze %dma_start3A_26 : memref<1x48x1024xf32, #tpu.memory_space<hbm>> -> memref<48x1024xf32, #tpu.memory_space<hbm>>
      %dma_start3A_28 = arith.constant 0 : i32
      %dma_start3A_29 = tpu.memref_slice %arg3[%run_scoped3A_19, %add3A_17, %dma_start3A_28] : memref<4x8192x1024xf32, #tpu.memory_space<hbm>> -> memref<1x48x1024xf32, #tpu.memory_space<hbm>>
      %dma_start3A_30 = tpu.memref_squeeze %dma_start3A_29 : memref<1x48x1024xf32, #tpu.memory_space<hbm>> -> memref<48x1024xf32, #tpu.memory_space<hbm>>
      %dma_start3A_31 = arith.constant 0 : i32
      %dma_start3A_32 = arith.constant 0 : i32
      %dma_start3A_33 = tpu.memref_slice %arg5[%dma_start3A_31, %dma_start3A_32] : memref<64x1024xf32, #tpu.memory_space<vmem>> -> memref<48x1024xf32, #tpu.memory_space<vmem>>
      tpu.enqueue_dma source(%dma_start3A_33 : memref<48x1024xf32, #tpu.memory_space<vmem>>) target(%dma_start3A_30 : memref<48x1024xf32, #tpu.memory_space<hbm>>) target_semaphore(%run_scoped3A_22 : memref<!tpu.dma_semaphore, #tpu.memory_space<semaphore_mem>>)
      %dma_wait3A = arith.constant 0 : i32
      %dma_wait3A_34 = arith.constant 0 : i32
      %dma_wait3A_35 = tpu.memref_slice %arg5[%dma_wait3A, %dma_wait3A_34] : memref<64x1024xf32, #tpu.memory_space<vmem>> -> memref<48x1024xf32, #tpu.memory_space<vmem>>
      %dma_wait3A_36 = arith.constant 0 : i32
      %dma_wait3A_37 = tpu.memref_slice %arg3[%run_scoped3A_19, %add3A_17, %dma_wait3A_36] : memref<4x8192x1024xf32, #tpu.memory_space<hbm>> -> memref<1x48x1024xf32, #tpu.memory_space<hbm>>
      %dma_wait3A_38 = tpu.memref_squeeze %dma_wait3A_37 : memref<1x48x1024xf32, #tpu.memory_space<hbm>> -> memref<48x1024xf32, #tpu.memory_space<hbm>>
      %dma_wait3A_39 = arith.constant 0 : i32
      %dma_wait3A_40 = tpu.memref_slice %arg3[%run_scoped3A_19, %add3A_17, %dma_wait3A_39] : memref<4x8192x1024xf32, #tpu.memory_space<hbm>> -> memref<1x48x1024xf32, #tpu.memory_space<hbm>>
      %dma_wait3A_41 = tpu.memref_squeeze %dma_wait3A_40 : memref<1x48x1024xf32, #tpu.memory_space<hbm>> -> memref<48x1024xf32, #tpu.memory_space<hbm>>
      %dma_wait3A_42 = arith.constant 0 : i32
      %dma_wait3A_43 = arith.constant 0 : i32
      %dma_wait3A_44 = tpu.memref_slice %arg5[%dma_wait3A_42, %dma_wait3A_43] : memref<64x1024xf32, #tpu.memory_space<vmem>> -> memref<48x1024xf32, #tpu.memory_space<vmem>>
      tpu.wait_dma2 semaphore(%run_scoped3A_22 : memref<!tpu.dma_semaphore, #tpu.memory_space<semaphore_mem>>) src(%dma_wait3A_44 : memref<48x1024xf32, #tpu.memory_space<vmem>>) dst(%dma_wait3A_41 : memref<48x1024xf32, #tpu.memory_space<hbm>>)
      tpu.yield
    }) : () -> ()
    %run_scoped3A_20 = arith.constant 2 : i32
    "tpu.region"() ({
      %run_scoped3A_22 = tpu.sem_alloc : memref<!tpu.dma_semaphore, #tpu.memory_space<semaphore_mem>>
      %dma_start3A = arith.constant 0 : i32
      %dma_start3A_23 = arith.constant 0 : i32
      %dma_start3A_24 = tpu.memref_slice %arg5[%dma_start3A, %dma_start3A_23] : memref<64x1024xf32, #tpu.memory_space<vmem>> -> memref<48x1024xf32, #tpu.memory_space<vmem>>
      %dma_start3A_25 = arith.constant 0 : i32
      %dma_start3A_26 = tpu.memref_slice %arg3[%run_scoped3A_20, %add3A_17, %dma_start3A_25] : memref<4x8192x1024xf32, #tpu.memory_space<hbm>> -> memref<1x48x1024xf32, #tpu.memory_space<hbm>>
      %dma_start3A_27 = tpu.memref_squeeze %dma_start3A_26 : memref<1x48x1024xf32, #tpu.memory_space<hbm>> -> memref<48x1024xf32, #tpu.memory_space<hbm>>
      %dma_start3A_28 = arith.constant 0 : i32
      %dma_start3A_29 = tpu.memref_slice %arg3[%run_scoped3A_20, %add3A_17, %dma_start3A_28] : memref<4x8192x1024xf32, #tpu.memory_space<hbm>> -> memref<1x48x1024xf32, #tpu.memory_space<hbm>>
      %dma_start3A_30 = tpu.memref_squeeze %dma_start3A_29 : memref<1x48x1024xf32, #tpu.memory_space<hbm>> -> memref<48x1024xf32, #tpu.memory_space<hbm>>
      %dma_start3A_31 = arith.constant 0 : i32
      %dma_start3A_32 = arith.constant 0 : i32
      %dma_start3A_33 = tpu.memref_slice %arg5[%dma_start3A_31, %dma_start3A_32] : memref<64x1024xf32, #tpu.memory_space<vmem>> -> memref<48x1024xf32, #tpu.memory_space<vmem>>
      tpu.enqueue_dma source(%dma_start3A_33 : memref<48x1024xf32, #tpu.memory_space<vmem>>) target(%dma_start3A_30 : memref<48x1024xf32, #tpu.memory_space<hbm>>) target_semaphore(%run_scoped3A_22 : memref<!tpu.dma_semaphore, #tpu.memory_space<semaphore_mem>>)
      %dma_wait3A = arith.constant 0 : i32
      %dma_wait3A_34 = arith.constant 0 : i32
      %dma_wait3A_35 = tpu.memref_slice %arg5[%dma_wait3A, %dma_wait3A_34] : memref<64x1024xf32, #tpu.memory_space<vmem>> -> memref<48x1024xf32, #tpu.memory_space<vmem>>
      %dma_wait3A_36 = arith.constant 0 : i32
      %dma_wait3A_37 = tpu.memref_slice %arg3[%run_scoped3A_20, %add3A_17, %dma_wait3A_36] : memref<4x8192x1024xf32, #tpu.memory_space<hbm>> -> memref<1x48x1024xf32, #tpu.memory_space<hbm>>
      %dma_wait3A_38 = tpu.memref_squeeze %dma_wait3A_37 : memref<1x48x1024xf32, #tpu.memory_space<hbm>> -> memref<48x1024xf32, #tpu.memory_space<hbm>>
      %dma_wait3A_39 = arith.constant 0 : i32
      %dma_wait3A_40 = tpu.memref_slice %arg3[%run_scoped3A_20, %add3A_17, %dma_wait3A_39] : memref<4x8192x1024xf32, #tpu.memory_space<hbm>> -> memref<1x48x1024xf32, #tpu.memory_space<hbm>>
      %dma_wait3A_41 = tpu.memref_squeeze %dma_wait3A_40 : memref<1x48x1024xf32, #tpu.memory_space<hbm>> -> memref<48x1024xf32, #tpu.memory_space<hbm>>
      %dma_wait3A_42 = arith.constant 0 : i32
      %dma_wait3A_43 = arith.constant 0 : i32
      %dma_wait3A_44 = tpu.memref_slice %arg5[%dma_wait3A_42, %dma_wait3A_43] : memref<64x1024xf32, #tpu.memory_space<vmem>> -> memref<48x1024xf32, #tpu.memory_space<vmem>>
      tpu.wait_dma2 semaphore(%run_scoped3A_22 : memref<!tpu.dma_semaphore, #tpu.memory_space<semaphore_mem>>) src(%dma_wait3A_44 : memref<48x1024xf32, #tpu.memory_space<vmem>>) dst(%dma_wait3A_41 : memref<48x1024xf32, #tpu.memory_space<hbm>>)
      tpu.yield
    }) : () -> ()
    %run_scoped3A_21 = arith.constant 3 : i32
    "tpu.region"() ({
      %run_scoped3A_22 = tpu.sem_alloc : memref<!tpu.dma_semaphore, #tpu.memory_space<semaphore_mem>>
      %dma_start3A = arith.constant 0 : i32
      %dma_start3A_23 = arith.constant 0 : i32
      %dma_start3A_24 = tpu.memref_slice %arg5[%dma_start3A, %dma_start3A_23] : memref<64x1024xf32, #tpu.memory_space<vmem>> -> memref<48x1024xf32, #tpu.memory_space<vmem>>
      %dma_start3A_25 = arith.constant 0 : i32
      %dma_start3A_26 = tpu.memref_slice %arg3[%run_scoped3A_21, %add3A_17, %dma_start3A_25] : memref<4x8192x1024xf32, #tpu.memory_space<hbm>> -> memref<1x48x1024xf32, #tpu.memory_space<hbm>>
      %dma_start3A_27 = tpu.memref_squeeze %dma_start3A_26 : memref<1x48x1024xf32, #tpu.memory_space<hbm>> -> memref<48x1024xf32, #tpu.memory_space<hbm>>
      %dma_start3A_28 = arith.constant 0 : i32
      %dma_start3A_29 = tpu.memref_slice %arg3[%run_scoped3A_21, %add3A_17, %dma_start3A_28] : memref<4x8192x1024xf32, #tpu.memory_space<hbm>> -> memref<1x48x1024xf32, #tpu.memory_space<hbm>>
      %dma_start3A_30 = tpu.memref_squeeze %dma_start3A_29 : memref<1x48x1024xf32, #tpu.memory_space<hbm>> -> memref<48x1024xf32, #tpu.memory_space<hbm>>
      %dma_start3A_31 = arith.constant 0 : i32
      %dma_start3A_32 = arith.constant 0 : i32
      %dma_start3A_33 = tpu.memref_slice %arg5[%dma_start3A_31, %dma_start3A_32] : memref<64x1024xf32, #tpu.memory_space<vmem>> -> memref<48x1024xf32, #tpu.memory_space<vmem>>
      tpu.enqueue_dma source(%dma_start3A_33 : memref<48x1024xf32, #tpu.memory_space<vmem>>) target(%dma_start3A_30 : memref<48x1024xf32, #tpu.memory_space<hbm>>) target_semaphore(%run_scoped3A_22 : memref<!tpu.dma_semaphore, #tpu.memory_space<semaphore_mem>>)
      %dma_wait3A = arith.constant 0 : i32
      %dma_wait3A_34 = arith.constant 0 : i32
      %dma_wait3A_35 = tpu.memref_slice %arg5[%dma_wait3A, %dma_wait3A_34] : memref<64x1024xf32, #tpu.memory_space<vmem>> -> memref<48x1024xf32, #tpu.memory_space<vmem>>
      %dma_wait3A_36 = arith.constant 0 : i32
      %dma_wait3A_37 = tpu.memref_slice %arg3[%run_scoped3A_21, %add3A_17, %dma_wait3A_36] : memref<4x8192x1024xf32, #tpu.memory_space<hbm>> -> memref<1x48x1024xf32, #tpu.memory_space<hbm>>
      %dma_wait3A_38 = tpu.memref_squeeze %dma_wait3A_37 : memref<1x48x1024xf32, #tpu.memory_space<hbm>> -> memref<48x1024xf32, #tpu.memory_space<hbm>>
      %dma_wait3A_39 = arith.constant 0 : i32
      %dma_wait3A_40 = tpu.memref_slice %arg3[%run_scoped3A_21, %add3A_17, %dma_wait3A_39] : memref<4x8192x1024xf32, #tpu.memory_space<hbm>> -> memref<1x48x1024xf32, #tpu.memory_space<hbm>>
      %dma_wait3A_41 = tpu.memref_squeeze %dma_wait3A_40 : memref<1x48x1024xf32, #tpu.memory_space<hbm>> -> memref<48x1024xf32, #tpu.memory_space<hbm>>
      %dma_wait3A_42 = arith.constant 0 : i32
      %dma_wait3A_43 = arith.constant 0 : i32
      %dma_wait3A_44 = tpu.memref_slice %arg5[%dma_wait3A_42, %dma_wait3A_43] : memref<64x1024xf32, #tpu.memory_space<vmem>> -> memref<48x1024xf32, #tpu.memory_space<vmem>>
      tpu.wait_dma2 semaphore(%run_scoped3A_22 : memref<!tpu.dma_semaphore, #tpu.memory_space<semaphore_mem>>) src(%dma_wait3A_44 : memref<48x1024xf32, #tpu.memory_space<vmem>>) dst(%dma_wait3A_41 : memref<48x1024xf32, #tpu.memory_space<hbm>>)
      tpu.yield
    }) : () -> ()
    return
  }
}

</mosaic_0001>

<sc_bundles>
// kernel: kernel.3.cloned.1.call-start
scs
__scs_entry_jumppad:
0x0: {  	(pc) =	sbr.rel $0x88, $3  }
0x1: {  	(tag) =	ssettag $0x0;
	lr =	simm.s32 $0x1  }
0x2: {  	[smem:$0x3FA0] =	sst lr;
	_ =	strace $0xD0000000  }
0x3: {  	_ = 	snop  }
0x4: {  	_ = 	snop  }
0x5: {  	_ = 	snop  }
0x6: {  	_ = 	snop  }
0x7: {  	_ = 	snop  }
__scs_overlays_trampoline_lowered:
0x8: {  	[smem:$0x3FAF] =	sst s0  }
0x9: {  	[smem:$0x3FB0] =	sst s1  }
0xa: {  	[smem:$0x3FB1] =	sst s2  }
0xb: {  	[smem:$0x3FB2] =	sst s3  }
0xc: {  	[smem:$0x3FB3] =	sst s4  }
0xd: {  	[smem:$0x3FB4] =	sst s5  }
0xe: {  	[smem:$0x3FB5] =	sst s6  }
0xf: {  	[smem:$0x3FB6] =	sst s7  }
0x10: {  	[smem:$0x3FB7] =	sst s8  }
0x11: {  	[smem:$0x3FB8] =	sst s9;
	s0 =	simm.s32 @!p0 $0x0  }
0x12: {  	s1 =	sld [smem:$0x3F9E];
	s0 =	simm.s32 @p0 $0x1  }
0x13: {  	[smem:$0x3FB9] =	sst s0;
	s0 =	simm.s32 @!p1 $0x0  }
0x14: {  	s2 =	sld [smem:$0x3F9D];
	s0 =	simm.s32 @p1 $0x1  }
0x15: {  	[smem:$0x3FBA] =	sst s0;
	s0 =	simm.s32 @!p2 $0x0  }
0x16: {  	s3 =	sld [smem:$0x3FDB];
	s0 =	simm.s32 @p2 $0x1  }
0x17: {  	s4 =	simm.s32 $0x1BF5;
	[smem:$0x3FBC] =	sst s0  }
0x18: {  	s0 =	sld [smem:$0x3F9F];
	_ =	swait.ge [sflag:s4], $0x0  }
0x19: {  	s7 =	sld [smem:$0x3FA0]  }
0x1a: {  	s8 =	sadd.s32 $0xFFFFE003, lr  }
0x1b: {  	s9 =	sadd.s32 $0xFFFFFEF7, lr;
	s5 =	simm.s32 $0xFFFFFFFF;
	p2 =	slt.u32 s8, $0xFFFFF086  }
0x1c: {  	p1 =	slt.u32 s9, $0xF7A;
	s5 =	simm.s32 @!p2 $0x0  }
0x1d: {  	s5 =	simm.s32 @p1 $0x1;
	p0 =	seq.s32 s7, s2  }
0x1e: {  	s7 =	smul.u32 @!p0 $0xF7A, s2;
	p2 =	seq.s32 @!p0 s5, $0x0  }
0x1f: {  	s9 =	smul.u32 $0xF7A, s1;
	s8 =	simm.s32 @!p0 $0x1BF5;
	p2 =	por !p2, p0  }
0x20: {  	[sflag:s8] =	ssyncset.s32 @!p0 $0xFFFFF086;
	s6 =	sadd.s32 @!p0 s3, s7;
	s7 =	simm.s32 @!p0 $0x108  }
0x21: {  	s3 =	sadd.s32 s3, s9;
	s6 =	sadd.s32 @!p0 $0x88, s6;
	s7 =	simm.s32 @p2 $0x1082  }
0x22: {  	[simem:s7], [sflag:s8] =	dma.local @!p0 [hbm:s6], $0xF7A  }
0x23: {  	s9 =	sor.u32 $0xD0000000, s2;
	s6 =	simm.s32 $0x108;
	_ =	swait.ge @!p0 [sflag:s8], $0x0  }
0x24: {  	s3 =	sadd.s32 $0x88, s3;
	s6 =	simm.s32 @!p1 $0x1082;
	[sflag:s4] =	ssyncset.s32 $0xFFFFF086  }
0x25: {  	[simem:s6], [sflag:s4] =	dma.local [hbm:s3], $0xF7A  }
0x26: {  	[smem:$0x3FA0] =	sst s1;
	(tag) =	ssettag s2;
	_ =	strace s9  }
0x27: {  	s1 =	sld [smem:$0x3FB0]  }
0x28: {  	s2 =	sld [smem:$0x3FB1]  }
0x29: {  	s4 =	sld [smem:$0x3FB3]  }
0x2a: {  	p0 =	seq.s32 s5, $0x0;
	s5 =	sld [smem:$0x3FB4]  }
0x2b: {  	s6 =	sld [smem:$0x3FB5]  }
0x2c: {  	s7 =	sld [smem:$0x3FB6]  }
0x2d: {  	s3 =	simm.s32 $0x108;
	s8 =	sld [smem:$0x3FB7]  }
0x2e: {  	s3 =	simm.s32 @!p0 $0x1082;
	s9 =	sld [smem:$0x3FB8]  }
0x2f: {  	lr =	sadd.s32 s0, s3;
	s0 =	sld [smem:$0x3FAF]  }
0x30: {  	s3 =	sld [smem:$0x3FB2]  }
0x31: {  	[smem:$0x3FBB] =	sst s10  }
0x32: {  	s10 =	sld [smem:$0x3FB9];
	_ =	sdelay $0x3  }
0x33: {  	p0 =	seq.s32 s10, $0x1;
	s10 =	sld [smem:$0x3FBB];
	_ =	sdelay $0x3  }
0x34: {  	[smem:$0x3FBB] =	sst s10  }
0x35: {  	s10 =	sld [smem:$0x3FBA];
	_ =	sdelay $0x3  }
0x36: {  	p1 =	seq.s32 s10, $0x1;
	s10 =	sld [smem:$0x3FBB];
	_ =	sdelay $0x3  }
0x37: {  	[smem:$0x3FBB] =	sst s10  }
0x38: {  	s10 =	sld [smem:$0x3FBC]  }
0x39: {  	_ = 	snop;
	(pc) =	sbr.ind lr, $3  }
0x3a: {  	_ = 	snop  }
0x3b: {  	_ = 	snop  }
0x3c: {  	p2 =	seq.s32 s10, $0x1;
	s10 =	sld [smem:$0x3FBB]  }
0x3d: {  	_ =	shalt  }
0x3e: {  	_ =	shalt  }
0x3f: {  	_ =	shalt  }
0x40: {  	_ =	shalt  }
0x41: {  	_ =	shalt  }
0x42: {  	_ =	shalt  }
0x43: {  	_ =	shalt  }
0x44: {  	_ =	shalt  }
0x45: {  	_ =	shalt  }
0x46: {  	_ =	shalt  }
0x47: {  	_ =	shalt  }
0x48: {  	_ =	shalt  }
0x49: {  	_ =	shalt  }
0x4a: {  	_ =	shalt  }
0x4b: {  	_ =	shalt  }
0x4c: {  	_ =	shalt  }
0x4d: {  	_ =	shalt  }
0x4e: {  	_ =	shalt  }
0x4f: {  	_ =	shalt  }
0x50: {  	_ =	shalt  }
0x51: {  	_ =	shalt  }
0x52: {  	_ =	shalt  }
0x53: {  	_ =	shalt  }
0x54: {  	_ =	shalt  }
0x55: {  	_ =	shalt  }
0x56: {  	_ =	shalt  }
0x57: {  	_ =	shalt  }
0x58: {  	_ =	shalt  }
0x59: {  	_ =	shalt  }
0x5a: {  	_ =	shalt  }
0x5b: {  	_ =	shalt  }
0x5c: {  	_ =	shalt  }
0x5d: {  	_ =	shalt  }
0x5e: {  	_ =	shalt  }
0x5f: {  	_ =	shalt  }
0x60: {  	_ =	shalt  }
0x61: {  	_ =	shalt  }
0x62: {  	_ =	shalt  }
0x63: {  	_ =	shalt  }
0x64: {  	_ =	shalt  }
0x65: {  	_ =	shalt  }
0x66: {  	_ =	shalt  }
0x67: {  	_ =	shalt  }
0x68: {  	_ =	shalt  }
0x69: {  	_ =	shalt  }
0x6a: {  	_ =	shalt  }
0x6b: {  	_ =	shalt  }
0x6c: {  	_ =	shalt  }
0x6d: {  	_ =	shalt  }
0x6e: {  	_ =	shalt  }
0x6f: {  	_ =	shalt  }
0x70: {  	_ =	shalt  }
0x71: {  	_ =	shalt  }
0x72: {  	_ =	shalt  }
0x73: {  	_ =	shalt  }
0x74: {  	_ =	shalt  }
0x75: {  	_ =	shalt  }
0x76: {  	_ =	shalt  }
0x77: {  	_ =	shalt  }
0x78: {  	_ =	shalt  }
0x79: {  	_ =	shalt  }
0x7a: {  	_ =	shalt  }
0x7b: {  	_ =	shalt  }
0x7c: {  	_ =	shalt  }
0x7d: {  	_ =	shalt  }
0x7e: {  	_ =	shalt  }
0x7f: {  	_ =	shalt  }
0x80: {  	_ =	shalt  }
0x81: {  	_ =	shalt  }
0x82: {  	_ =	shalt  }
0x83: {  	_ =	shalt  }
0x84: {  	_ =	shalt  }
0x85: {  	_ =	shalt  }
0x86: {  	_ =	shalt  }
0x87: {  	_ =	shalt  }
.Lfunc_end0:
.L_simem_size_0:
called_computation_lowered:
.L_overlay_start_0:
0x88: {  	s1 =	sld [smem:$0x3FD9]  }
0x89: {  	s3 =	sld [smem:$0x3FFE];
	_ =	sdelay $0x1  }
0x8a: {  	s2 =	srdreg.scid  }
0x8b: {  	s0 =	sand.u32 $0x1, s2  }
0x8c: {  	s29 =	sshll.u32 s0, $0xA;
	s1 =	sadd.s32 s3, s1  }
0x8d: {  	s1 =	sadd.s32 s1, s29  }
0x8e: {  	[smem:$0x3FC7] =	sst s1  }
0x8f: {  	_ = 	snop  }
0x90: {  	s1 =	simm.s32 $0x0;
	s4 =	sld [smem:$0x3FC9]  }
0x91: {  	[smem:$0xF] =	sst s1  }
0x92: {  	s30 =	sld [smem:$0x3FD0];
	(tm) =	ssettm $0x1  }
0x93: {  	s5 =	sld [smem:$0x3FFB];
	_ =	sdelay $0x3  }
0x94: {  	_ =	strace s5  }
0x95: {  	s5 =	sld [smem:$0x3FFC];
	_ =	sdelay $0x3  }
0x96: {  	_ =	strace s5  }
0x97: {  	s5 =	sld [smem:$0x3FFD];
	_ =	sdelay $0x3  }
0x98: {  	_ =	strace s5  }
0x99: {  	_ =	strace $0x8FFFFFFF  }
0x9a: {  	s31 =	sld [smem:$0x3FDB];
	_ =	sdelay $0x2  }
0x9b: {  	s6 =	simm.s32 $_scs_section_size;
	s7 =	simm.s32 $_tile_overlayer_lowered  }
0x9c: {  	s8 =	simm.s32 $_size__tile_overlayer_lowered;
	s7 =	sshll.u32 s7, $0x1;
	s5 =	sadd.s32 s6, s31  }
0x9d: {  	s6 =	sshll.u32 s8, $0x1;
	s8 =	simm.s32 $0x1BFF;
	s7 =	sadd.s32 s7, s5  }
0x9e: {  	[timem:s1], [sflag:s8] =	dma.local [hbm:s7], s6  }
0x9f: {  	_ =	swait.ge [sflag:s8], s6  }
0xa0: {  	s6 =	ssub.s32 $0x0, s6;
	[sflag:s8] =	ssyncset.done $0x0  }
0xa1: {  	[sflag:s8] =	ssyncadd.s32 s6;
	_ =	sdelay $0x1  }
0xa2: {  	s9 =	simm.s32 $0x1B8B  }
0xa3: {  	_ =	swait.ge [sflag:s9], $0x1  }
0xa4: {  	[sflag:s9] =	ssyncset.done $0x0  }
0xa5: {  	s10 =	simm.s32 $0x1B8E;
	[sflag:s9] =	ssyncadd.s32 $0xFFFFFFFF  }
0xa6: {  	s11 =	simm.s32 $execute0_lowered;
	[smem:$0x3FD2] =	sst s10  }
0xa7: {  	s6 =	sshll.u32 s11, $0x1;
	_ =	strace $0x80000046;
	[dreg:$0x1] =	wrdreg $0xFFFFFFFF  }
0xa8: {  	s12 =	simm.s32 $_size_execute0_lowered;
	s5 =	sadd.s32 s5, s6;
	[dreg:$0x0] =	wrdreg $0x0  }
0xa9: {  	s6 =	sshll.u32 s12, $0x1;
	[dreg:$0x2] =	wrdreg s5  }
0xaa: {  	[dreg:$0x3] =	wrdreg s6  }
0xab: {  	[dreg:$0x4] =	wrdreg $0xC0  }
0xac: {  	_ =	task [dreg:s1], $0x5FFFF  }
0xad: {  	[dreg:$0x1] =	wrdreg $0xFFFFFFFF  }
0xae: {  	[dreg:$0x0] =	wrdreg $0x60  }
0xaf: {  	s13 =	smul.u32 $0x140000, s0;
	[dreg:$0x2] =	wrdreg s4  }
0xb0: {  	[dreg:$0x3] =	wrdreg s30  }
0xb1: {  	s14 =	sshrl.u32 s13, $0x3;
	[dreg:$0x4] =	wrdreg $0x9  }
0xb2: {  	s16 =	simm.s32 $0xA;
	s15 =	sadd.s32 s14, s4;
	_ =	task.clear_ibuf [dreg:s1], $0x5FFFF  }
0xb3: {  	[spmem:s1], [sflag:s16] =	dma.local [hbm:s15], $0x10000  }
0xb4: {  	_ =	swait.ge [sflag:s16], $0x10000  }
0xb5: {  	[sflag:s16] =	ssyncset.done $0x0  }
0xb6: {  	[sflag:s16] =	ssyncadd.s32 $0xFFFF0000  }
0xb7: {  	s17 =	sadd.s32 s14, s30  }
0xb8: {  	[hbm:s17], [sflag:s16] =	dma.local [spmem:s1], $0x10000  }
0xb9: {  	_ =	swait.ge [sflag:s16], $0x10000  }
0xba: {  	[sflag:s16] =	ssyncset.done $0x0  }
0xbb: {  	[sflag:s16] =	ssyncadd.s32 $0xFFFF0000  }
0xbc: {  	s18 =	sadd.s32 $0x100000, s17  }
0xbd: {  	[hbm:s18], [sflag:s16] =	dma.local [spmem:s1], $0x10000  }
0xbe: {  	_ =	swait.ge [sflag:s16], $0x10000  }
0xbf: {  	[sflag:s16] =	ssyncset.done $0x0  }
0xc0: {  	[sflag:s16] =	ssyncadd.s32 $0xFFFF0000  }
0xc1: {  	s19 =	sadd.s32 $0x200000, s17  }
0xc2: {  	[hbm:s19], [sflag:s16] =	dma.local [spmem:s1], $0x10000  }
0xc3: {  	_ =	swait.ge [sflag:s16], $0x10000  }
0xc4: {  	[sflag:s16] =	ssyncset.done $0x0  }
0xc5: {  	[sflag:s16] =	ssyncadd.s32 $0xFFFF0000  }
0xc6: {  	s20 =	sadd.s32 $0x300000, s17  }
0xc7: {  	[hbm:s20], [sflag:s16] =	dma.local [spmem:s1], $0x10000  }
0xc8: {  	_ =	swait.ge [sflag:s16], $0x10000  }
0xc9: {  	[sflag:s16] =	ssyncset.done $0x0  }
0xca: {  	s21 =	sadd.s32 $0x10000, s14;
	[sflag:s16] =	ssyncadd.s32 $0xFFFF0000  }
0xcb: {  	s9 =	sadd.s32 s21, s4  }
0xcc: {  	[spmem:s1], [sflag:s16] =	dma.local [hbm:s9], $0x10000  }
0xcd: {  	_ =	swait.ge [sflag:s16], $0x10000  }
0xce: {  	[sflag:s16] =	ssyncset.done $0x0  }
0xcf: {  	[sflag:s16] =	ssyncadd.s32 $0xFFFF0000  }
0xd0: {  	s8 =	sadd.s32 s21, s30  }
0xd1: {  	[hbm:s8], [sflag:s16] =	dma.local [spmem:s1], $0x10000  }
0xd2: {  	_ =	swait.ge [sflag:s16], $0x10000  }
0xd3: {  	[sflag:s16] =	ssyncset.done $0x0  }
0xd4: {  	[sflag:s16] =	ssyncadd.s32 $0xFFFF0000  }
0xd5: {  	s22 =	sadd.s32 $0x110000, s17  }
0xd6: {  	[hbm:s22], [sflag:s16] =	dma.local [spmem:s1], $0x10000  }
0xd7: {  	_ =	swait.ge [sflag:s16], $0x10000  }
0xd8: {  	[sflag:s16] =	ssyncset.done $0x0  }
0xd9: {  	[sflag:s16] =	ssyncadd.s32 $0xFFFF0000  }
0xda: {  	s23 =	sadd.s32 $0x210000, s17  }
0xdb: {  	[hbm:s23], [sflag:s16] =	dma.local [spmem:s1], $0x10000  }
0xdc: {  	_ =	swait.ge [sflag:s16], $0x10000  }
0xdd: {  	[sflag:s16] =	ssyncset.done $0x0  }
0xde: {  	[sflag:s16] =	ssyncadd.s32 $0xFFFF0000  }
0xdf: {  	s24 =	sadd.s32 $0x310000, s17  }
0xe0: {  	[hbm:s24], [sflag:s16] =	dma.local [spmem:s1], $0x10000  }
0xe1: {  	_ =	swait.ge [sflag:s16], $0x10000  }
0xe2: {  	[sflag:s16] =	ssyncset.done $0x0  }
0xe3: {  	s7 =	sadd.s32 $0x20000, s14;
	[sflag:s16] =	ssyncadd.s32 $0xFFFF0000  }
0xe4: {  	s4 =	sadd.s32 s7, s4  }
0xe5: {  	[spmem:s1], [sflag:s16] =	dma.local [hbm:s4], $0x8000  }
0xe6: {  	_ =	swait.ge [sflag:s16], $0x8000  }
0xe7: {  	[sflag:s16] =	ssyncset.done $0x0  }
0xe8: {  	[sflag:s16] =	ssyncadd.s32 $0xFFFF8000  }
0xe9: {  	s3 =	sadd.s32 s7, s30  }
0xea: {  	[hbm:s3], [sflag:s16] =	dma.local [spmem:s1], $0x8000  }
0xeb: {  	_ =	swait.ge [sflag:s16], $0x8000  }
0xec: {  	[sflag:s16] =	ssyncset.done $0x0  }
0xed: {  	[sflag:s16] =	ssyncadd.s32 $0xFFFF8000  }
0xee: {  	s25 =	sadd.s32 $0x120000, s17  }
0xef: {  	[hbm:s25], [sflag:s16] =	dma.local [spmem:s1], $0x8000  }
0xf0: {  	_ =	swait.ge [sflag:s16], $0x8000  }
0xf1: {  	[sflag:s16] =	ssyncset.done $0x0  }
0xf2: {  	[sflag:s16] =	ssyncadd.s32 $0xFFFF8000  }
0xf3: {  	s26 =	sadd.s32 $0x220000, s17  }
0xf4: {  	[hbm:s26], [sflag:s16] =	dma.local [spmem:s1], $0x8000  }
0xf5: {  	_ =	swait.ge [sflag:s16], $0x8000  }
0xf6: {  	[sflag:s16] =	ssyncset.done $0x0  }
0xf7: {  	[sflag:s16] =	ssyncadd.s32 $0xFFFF8000  }
0xf8: {  	s28 =	sadd.s32 $0x320000, s17  }
0xf9: {  	[hbm:s28], [sflag:s16] =	dma.local [spmem:s1], $0x8000  }
0xfa: {  	_ =	swait.ge [sflag:s16], $0x8000  }
0xfb: {  	[sflag:s16] =	ssyncset.done $0x0  }
0xfc: {  	[sflag:s16] =	ssyncadd.s32 $0xFFFF8000  }
0xfd: {  	_ =	strace $0x90000046  }
0xfe: {  	s29 =	simm.s32 $0x9;
	_ =	strace $0x80000048  }
0xff: {  	_ =	swait.ge [sflag:s29], $0x1  }
0x100: {  	[sflag:s29] =	ssyncadd.s32 $0xFFFFFFFF  }
0x101: {  	_ =	strace $0x90000048  }
0x102: {  	_ =	sfence  }
0x103: {  	s30 =	sld [smem:$0x0];
	_ =	sdelay $0x2  }
0x104: {  	s31 =	sshll.u32 s2, $0xD;
	s2 =	sshrl.u32 s2, $0x2  }
0x105: {  	s4 =	sand.u32 $0x4000, s31;
	s2 =	sadd.s32 s2, s30  }
0x106: {  	s0 =	sor.u32 s4, s0;
	s2 =	sshll.u32 s2, $0x11  }
0x107: {  	s0 =	sor.u32 s2, s0  }
0x108: {  	s0 =	sadd.s32 $0x8F2B, s0  }
0x109: {  	[sflag:s0] =	ssyncadd.remote.s32 $0x1  }
0x10a: {  	_ =	sfence.sel $0xFFFF  }
0x10b: {  	[dreg:$0x0] =	wrdreg $0xFFFFFFFF;
	(pc) =	sbr.abs _section_cstart, $3  }
0x10c: {  	[dreg:$0x1] =	wrdreg $0xFFFFFFFF  }
0x10d: {  	_ =	task.clear_ibuf [dreg:s1], $0x2FFFF;
	_ =	strace $0x9FFFFFFF  }
0x10e: {  	(tm) =	ssettm $0x7FFFFFFF  }
0x10f: {  	_ =	shalt  }
tec
execute0_lowered:
.L_overlay_start_1:
0x0: {  	(tag) =	ssettag $0x1  }
0x1: {  	s1 =	srdreg.scid;
	s0 =	stileid.u32  }
0x2: {  	s18 =	sand.u32 $0x1, s1;
	s31 =	sshll.u32 s0, $0x1  }
0x3: {  	s1 =	sor.u32 s18, s31  }
0x4: {  	s15 =	rddreg [dreg:$0x0];
	s3 =	smul.u32 $0x2C000, s1  }
0x5: {  	s16 =	rddreg [dreg:$0x1]  }
0x6: {  	s2 =	simm.s32 $0x0;
	s5 =	simm.s32 $0x8000;
	s17 =	sshrl.u32 s3, $0x3  }
0x7: {  	s4 =	simm.s32 $0x1;
	[smem:$0x7FF] =	sst s2;
	s6 =	sadd.s32 $0x50000, s17  }
0x8: {  	s1 =	rddreg [dreg:$0x2];
	_ =	strace $0x80000047;
	s3 =	sadd.s32 s15, s6  }
0x9: {  	[tilespmem:s5], [sflag:$0x1] =	stream.linear.gather [hbm4b:s3+s2], $0x10000, $0x38;
	[tilespmem:$0x18000] =	vst v63  }
0xa: {  	_ =	swait.ge [sflag:s4], $0x10000  }
0xb: {  	[sflag:s4] =	ssyncset.done $0x0  }
0xc: {  	s6 =	sadd.s32 s16, s6;
	[sflag:s4] =	ssyncadd.s32 $0xFFFF0000  }
0xd: {  	[hbm4b:s6+s2] =	stream.linear.scatter [tilespmem:s5], [sflag:$0x1], $0x10000, $0x38;
	[tilespmem:$0x18000] =	vst v63  }
0xe: {  	_ =	swait.ge [sflag:s4], $0x10000  }
0xf: {  	s19 =	sadd.s32 s16, s17;
	[sflag:s4] =	ssyncset.done $0x0  }
0x10: {  	s7 =	sadd.s32 $0x150000, s19;
	[sflag:s4] =	ssyncadd.s32 $0xFFFF0000  }
0x11: {  	[hbm4b:s7+s2] =	stream.linear.scatter [tilespmem:s5], [sflag:$0x1], $0x10000, $0x38;
	[tilespmem:$0x18000] =	vst v63  }
0x12: {  	_ =	swait.ge [sflag:s4], $0x10000  }
0x13: {  	[sflag:s4] =	ssyncset.done $0x0  }
0x14: {  	s8 =	sadd.s32 $0x250000, s19;
	[sflag:s4] =	ssyncadd.s32 $0xFFFF0000  }
0x15: {  	[hbm4b:s8+s2] =	stream.linear.scatter [tilespmem:s5], [sflag:$0x1], $0x10000, $0x38;
	[tilespmem:$0x18000] =	vst v63  }
0x16: {  	_ =	swait.ge [sflag:s4], $0x10000  }
0x17: {  	[sflag:s4] =	ssyncset.done $0x0  }
0x18: {  	s9 =	sadd.s32 $0x350000, s19;
	[sflag:s4] =	ssyncadd.s32 $0xFFFF0000  }
0x19: {  	[hbm4b:s9+s2] =	stream.linear.scatter [tilespmem:s5], [sflag:$0x1], $0x10000, $0x38;
	[tilespmem:$0x18000] =	vst v63  }
0x1a: {  	_ =	swait.ge [sflag:s4], $0x10000  }
0x1b: {  	s11 =	sadd.s32 $0x52000, s17;
	[sflag:s4] =	ssyncset.done $0x0  }
0x1c: {  	s10 =	sadd.s32 s15, s11;
	[sflag:s4] =	ssyncadd.s32 $0xFFFF0000  }
0x1d: {  	[tilespmem:s5], [sflag:$0x1] =	stream.linear.gather [hbm4b:s10+s2], $0x10000, $0x38;
	[tilespmem:$0x18000] =	vst v63  }
0x1e: {  	_ =	swait.ge [sflag:s4], $0x10000  }
0x1f: {  	[sflag:s4] =	ssyncset.done $0x0  }
0x20: {  	s11 =	sadd.s32 s16, s11;
	[sflag:s4] =	ssyncadd.s32 $0xFFFF0000  }
0x21: {  	[hbm4b:s11+s2] =	stream.linear.scatter [tilespmem:s5], [sflag:$0x1], $0x10000, $0x38;
	[tilespmem:$0x18000] =	vst v63  }
0x22: {  	_ =	swait.ge [sflag:s4], $0x10000  }
0x23: {  	[sflag:s4] =	ssyncset.done $0x0  }
0x24: {  	s12 =	sadd.s32 $0x152000, s19;
	[sflag:s4] =	ssyncadd.s32 $0xFFFF0000  }
0x25: {  	[hbm4b:s12+s2] =	stream.linear.scatter [tilespmem:s5], [sflag:$0x1], $0x10000, $0x38;
	[tilespmem:$0x18000] =	vst v63  }
0x26: {  	_ =	swait.ge [sflag:s4], $0x10000  }
0x27: {  	[sflag:s4] =	ssyncset.done $0x0  }
0x28: {  	s13 =	sadd.s32 $0x252000, s19;
	[sflag:s4] =	ssyncadd.s32 $0xFFFF0000  }
0x29: {  	[hbm4b:s13+s2] =	stream.linear.scatter [tilespmem:s5], [sflag:$0x1], $0x10000, $0x38;
	[tilespmem:$0x18000] =	vst v63  }
0x2a: {  	_ =	swait.ge [sflag:s4], $0x10000  }
0x2b: {  	[sflag:s4] =	ssyncset.done $0x0  }
0x2c: {  	s14 =	sadd.s32 $0x352000, s19;
	[sflag:s4] =	ssyncadd.s32 $0xFFFF0000  }
0x2d: {  	[hbm4b:s14+s2] =	stream.linear.scatter [tilespmem:s5], [sflag:$0x1], $0x10000, $0x38;
	[tilespmem:$0x18000] =	vst v63  }
0x2e: {  	_ =	swait.ge [sflag:s4], $0x10000  }
0x2f: {  	s17 =	sadd.s32 $0x54000, s17;
	[sflag:s4] =	ssyncset.done $0x0  }
0x30: {  	s15 =	sadd.s32 s15, s17;
	[sflag:s4] =	ssyncadd.s32 $0xFFFF0000  }
0x31: {  	[tilespmem:s5], [sflag:$0x1] =	stream.linear.gather [hbm4b:s15+s2], $0xC000, $0x38;
	[tilespmem:$0x18000] =	vst v63  }
0x32: {  	_ =	swait.ge [sflag:s4], $0xC000  }
0x33: {  	[sflag:s4] =	ssyncset.done $0x0  }
0x34: {  	s16 =	sadd.s32 s16, s17;
	[sflag:s4] =	ssyncadd.s32 $0xFFFF4000  }
0x35: {  	[hbm4b:s16+s2] =	stream.linear.scatter [tilespmem:s5], [sflag:$0x1], $0xC000, $0x38;
	[tilespmem:$0x18000] =	vst v63  }
0x36: {  	_ =	swait.ge [sflag:s4], $0xC000  }
0x37: {  	[sflag:s4] =	ssyncset.done $0x0  }
0x38: {  	s20 =	ssub.s32 $0x2, s18;
	s17 =	sadd.s32 $0x154000, s19;
	[sflag:s4] =	ssyncadd.s32 $0xFFFF4000  }
0x39: {  	[hbm4b:s17+s2] =	stream.linear.scatter [tilespmem:s5], [sflag:$0x1], $0xC000, $0x38;
	[tilespmem:$0x18000] =	vst v63  }
0x3a: {  	s21 =	sshrl.u32 s20, $0x1;
	_ =	swait.ge [sflag:s4], $0xC000  }
0x3b: {  	s20 =	ssub.s32 s20, s21;
	[sflag:s4] =	ssyncset.done $0x0  }
0x3c: {  	s20 =	smax.u32 s20, $0x1;
	s18 =	sadd.s32 $0x254000, s19;
	[sflag:s4] =	ssyncadd.s32 $0xFFFF4000  }
0x3d: {  	[hbm4b:s18+s2] =	stream.linear.scatter [tilespmem:s5], [sflag:$0x1], $0xC000, $0x38;
	[tilespmem:$0x18000] =	vst v63  }
0x3e: {  	p0 =	sne.s32 s20, $0x1;
	_ =	swait.ge [sflag:s4], $0xC000  }
.Ltmp0:
0x3f: {  	[sflag:s4] =	ssyncset.done $0x0;
	(pc) =	sbr.rel @!p0 .LBB2_2-.Ltmp0, $4  }
0x40: {  	s19 =	sadd.s32 $0x354000, s19;
	[sflag:s4] =	ssyncadd.s32 $0xFFFF4000  }
0x41: {  	[hbm4b:s19+s2] =	stream.linear.scatter [tilespmem:s5], [sflag:$0x1], $0xC000, $0x38;
	[tilespmem:$0x18000] =	vst v63  }
0x42: {  	_ =	swait.ge [sflag:s4], $0xC000  }
0x43: {  	s20 =	sadd.s32 $0xFFFFFFFF, s20;
	[sflag:s4] =	ssyncset.done $0x0  }
.LBB2_1:
0x44: {  	p0 =	sne.s32 s20, $0x1;
	s20 =	sadd.s32 $0xFFFFFFFF, s20;
	[sflag:s4] =	ssyncadd.s32 $0xFFFF4000  }
0x45: {  	[tilespmem:s5], [sflag:$0x1] =	stream.linear.gather [hbm4b:s3+s2], $0x10000, $0x38;
	[tilespmem:$0x18000] =	vst v63  }
0x46: {  	_ =	swait.ge [sflag:s4], $0x10000  }
0x47: {  	[sflag:s4] =	ssyncset.done $0x0  }
0x48: {  	[sflag:s4] =	ssyncadd.s32 $0xFFFF0000  }
0x49: {  	[hbm4b:s6+s2] =	stream.linear.scatter [tilespmem:s5], [sflag:$0x1], $0x10000, $0x38;
	[tilespmem:$0x18000] =	vst v63  }
0x4a: {  	_ =	swait.ge [sflag:s4], $0x10000  }
0x4b: {  	[sflag:s4] =	ssyncset.done $0x0  }
0x4c: {  	[sflag:s4] =	ssyncadd.s32 $0xFFFF0000  }
0x4d: {  	[hbm4b:s7+s2] =	stream.linear.scatter [tilespmem:s5], [sflag:$0x1], $0x10000, $0x38;
	[tilespmem:$0x18000] =	vst v63  }
0x4e: {  	_ =	swait.ge [sflag:s4], $0x10000  }
0x4f: {  	[sflag:s4] =	ssyncset.done $0x0  }
0x50: {  	[sflag:s4] =	ssyncadd.s32 $0xFFFF0000  }
0x51: {  	[hbm4b:s8+s2] =	stream.linear.scatter [tilespmem:s5], [sflag:$0x1], $0x10000, $0x38;
	[tilespmem:$0x18000] =	vst v63  }
0x52: {  	_ =	swait.ge [sflag:s4], $0x10000  }
0x53: {  	[sflag:s4] =	ssyncset.done $0x0  }
0x54: {  	[sflag:s4] =	ssyncadd.s32 $0xFFFF0000  }
0x55: {  	[hbm4b:s9+s2] =	stream.linear.scatter [tilespmem:s5], [sflag:$0x1], $0x10000, $0x38;
	[tilespmem:$0x18000] =	vst v63  }
0x56: {  	_ =	swait.ge [sflag:s4], $0x10000  }
0x57: {  	[sflag:s4] =	ssyncset.done $0x0  }
0x58: {  	[sflag:s4] =	ssyncadd.s32 $0xFFFF0000  }
0x59: {  	[tilespmem:s5], [sflag:$0x1] =	stream.linear.gather [hbm4b:s10+s2], $0x10000, $0x38;
	[tilespmem:$0x18000] =	vst v63  }
0x5a: {  	_ =	swait.ge [sflag:s4], $0x10000  }
0x5b: {  	[sflag:s4] =	ssyncset.done $0x0  }
0x5c: {  	[sflag:s4] =	ssyncadd.s32 $0xFFFF0000  }
0x5d: {  	[hbm4b:s11+s2] =	stream.linear.scatter [tilespmem:s5], [sflag:$0x1], $0x10000, $0x38;
	[tilespmem:$0x18000] =	vst v63  }
0x5e: {  	_ =	swait.ge [sflag:s4], $0x10000  }
0x5f: {  	[sflag:s4] =	ssyncset.done $0x0  }
0x60: {  	[sflag:s4] =	ssyncadd.s32 $0xFFFF0000  }
0x61: {  	[hbm4b:s12+s2] =	stream.linear.scatter [tilespmem:s5], [sflag:$0x1], $0x10000, $0x38;
	[tilespmem:$0x18000] =	vst v63  }
0x62: {  	_ =	swait.ge [sflag:s4], $0x10000  }
0x63: {  	[sflag:s4] =	ssyncset.done $0x0  }
0x64: {  	[sflag:s4] =	ssyncadd.s32 $0xFFFF0000  }
0x65: {  	[hbm4b:s13+s2] =	stream.linear.scatter [tilespmem:s5], [sflag:$0x1], $0x10000, $0x38;
	[tilespmem:$0x18000] =	vst v63  }
0x66: {  	_ =	swait.ge [sflag:s4], $0x10000  }
0x67: {  	[sflag:s4] =	ssyncset.done $0x0  }
0x68: {  	[sflag:s4] =	ssyncadd.s32 $0xFFFF0000  }
0x69: {  	[hbm4b:s14+s2] =	stream.linear.scatter [tilespmem:s5], [sflag:$0x1], $0x10000, $0x38;
	[tilespmem:$0x18000] =	vst v63  }
0x6a: {  	_ =	swait.ge [sflag:s4], $0x10000  }
0x6b: {  	[sflag:s4] =	ssyncset.done $0x0  }
0x6c: {  	[sflag:s4] =	ssyncadd.s32 $0xFFFF0000  }
0x6d: {  	[tilespmem:s5], [sflag:$0x1] =	stream.linear.gather [hbm4b:s15+s2], $0xC000, $0x38;
	[tilespmem:$0x18000] =	vst v63  }
0x6e: {  	_ =	swait.ge [sflag:s4], $0xC000  }
0x6f: {  	[sflag:s4] =	ssyncset.done $0x0  }
0x70: {  	[sflag:s4] =	ssyncadd.s32 $0xFFFF4000  }
0x71: {  	[hbm4b:s16+s2] =	stream.linear.scatter [tilespmem:s5], [sflag:$0x1], $0xC000, $0x38;
	[tilespmem:$0x18000] =	vst v63  }
0x72: {  	_ =	swait.ge [sflag:s4], $0xC000  }
0x73: {  	[sflag:s4] =	ssyncset.done $0x0  }
0x74: {  	[sflag:s4] =	ssyncadd.s32 $0xFFFF4000  }
0x75: {  	[hbm4b:s17+s2] =	stream.linear.scatter [tilespmem:s5], [sflag:$0x1], $0xC000, $0x38;
	[tilespmem:$0x18000] =	vst v63  }
0x76: {  	_ =	swait.ge [sflag:s4], $0xC000  }
0x77: {  	[sflag:s4] =	ssyncset.done $0x0  }
0x78: {  	[sflag:s4] =	ssyncadd.s32 $0xFFFF4000  }
0x79: {  	[hbm4b:s18+s2] =	stream.linear.scatter [tilespmem:s5], [sflag:$0x1], $0xC000, $0x38;
	[tilespmem:$0x18000] =	vst v63  }
0x7a: {  	_ =	swait.ge [sflag:s4], $0xC000  }
.Ltmp1:
0x7b: {  	[sflag:s4] =	ssyncset.done $0x0;
	(pc) =	sbr.rel @p0 .LBB2_1-.Ltmp1, $4  }
0x7c: {  	[sflag:s4] =	ssyncadd.s32 $0xFFFF4000  }
0x7d: {  	[hbm4b:s19+s2] =	stream.linear.scatter [tilespmem:s5], [sflag:$0x1], $0xC000, $0x38;
	[tilespmem:$0x18000] =	vst v63  }
0x7e: {  	_ =	swait.ge [sflag:s4], $0xC000  }
0x7f: {  	[sflag:s4] =	ssyncset.done $0x0  }
.LBB2_2:
0x80: {  	[sflag:s4] =	ssyncadd.s32 $0xFFFF4000  }
0x81: {  	_ =	sfence.sel $0x180000  }
0x82: {  	[bflag:$0x0] =	sbarrier.arrive $0xFFFF  }
0x83: {  	p0 =	sne.s32 s0, $0x0;
	_ =	strace $0x90000047  }
0x84: {  	s0 =	sadd.s32 @!p0 $0x100000, s1;
	[bflag:$0x2] =	sbarrier.arrive $0xFFFF  }
0x85: {  	[sflag:s0] =	ssyncadd.tile.s32 @!p0 $0x1;
	_ =	shalt  }
.Lfunc_end2:
_tile_overlayer_lowered:
.L_overlay_start_2:
0x86: {  	(tag) =	ssettag $0x2  }
0x87: {  	s0 =	rddreg [dreg:$0x0];
	s2 =	stileid.u32  }
0x88: {  	s1 =	rddreg [dreg:$0x1];
	p0 =	sne.s32 s2, $0x0  }
0x89: {  	s3 =	rddreg [dreg:$0x2];
	[bflag:$0x3] =	sbarrier.arrive $0xFFFF;
	s2 =	simm.s32 @!p0 $0x1C01  }
0x8a: {  	[timem:s3], [sflag:s2] =	dma.local @!p0 [hbm:s0], s1  }
0x8b: {  	s0 =	simm.s32 @!p0 $0x1  }
0x8c: {  	_ =	swait.ge @!p0 [sflag:s0], s1  }
0x8d: {  	s1 =	ssub.s32 @!p0 $0x0, s1;
	[sflag:s0] =	ssyncset.done @!p0 $0x0  }
0x8e: {  	[sflag:s0] =	ssyncadd.s32 @!p0 s1  }
0x8f: {  	[bflag:$0x3] =	sbarrier.arrive $0xFFFF  }
0x90: {  	_ =	shalt  }

</sc_bundles>
